<compile_context>
chip_gen: v7x
topology: tpu7x:2x2x1
jax: 0.10.2.dev20260603
libtpu: 0.0.44.dev20260713+nightly
codegen_flags: <defaults>
</compile_context>

<pallas_src>
import functools

import jax
import jax.numpy as jnp
from jax import lax
from jax.experimental import pallas as pl
from jax.experimental.pallas import tpu as pltpu
from jax.experimental.pallas import tpu_sc as plsc

FIELD_NUM = 26
MULTI_LEN = 200
OFFSET = 900000
EMBED_DIM = 32
ONE_HOT = FIELD_NUM - 1


def _sum_body(x_ref, t_ref, o_ref):
    m = (x_ref[:, ONE_HOT:] != 0).astype(jnp.float32)
    o_ref[...] = jnp.dot(m, t_ref[...], preferred_element_type=jnp.float32)


def _multi_hot_sum(x, t200):
    batch, width = x.shape
    bb = 1024
    return pl.pallas_call(
        _sum_body,
        grid=(batch // bb,),
        in_specs=[
            pl.BlockSpec((bb, width), lambda i: (i, 0)),
            pl.BlockSpec((MULTI_LEN, EMBED_DIM), lambda i: (0, 0)),
        ],
        out_specs=pl.BlockSpec((bb, EMBED_DIM), lambda i: (i, 0)),
        out_shape=jax.ShapeDtypeStruct((batch, EMBED_DIM), jnp.float32),
    )(x, t200)


def _make_sc_gather(batch):
    info = plsc.get_sparse_core_info()
    nc, ns = info.num_cores, info.num_subcores
    nw = nc * ns
    bpw = batch // nw
    cb = 64
    cn = cb * ONE_HOT
    steps = bpw // cb

    mesh = plsc.VectorSubcoreMesh(core_axis_name="c", subcore_axis_name="s")

    @functools.partial(
        pl.kernel,
        mesh=mesh,
        compiler_params=pltpu.CompilerParams(use_tc_tiling_on_sc=False),
        out_type=jax.ShapeDtypeStruct((batch * FIELD_NUM, EMBED_DIM), jnp.float32),
        scratch_types=[
            pltpu.VMEM((cn,), jnp.int32),
            pltpu.VMEM((cn,), jnp.int32),
            pltpu.VMEM((cn, EMBED_DIM), jnp.float32),
            pltpu.VMEM((cb,), jnp.int32),
            pltpu.VMEM((cb, EMBED_DIM), jnp.float32),
            pltpu.SemaphoreType.DMA,
        ],
    )
    def k(table_hbm, sidx_hbm, didx_hbm, sum_hbm, sdidx_hbm, out_hbm,
          sidx_v, didx_v, rows_v, sdidx_v, sum_v, sem):
        wid = lax.axis_index("s") * nc + lax.axis_index("c")
        base = wid * bpw
        for step in range(steps):
            b0 = base + step * cb
            p0 = b0 * ONE_HOT
            pltpu.sync_copy(sidx_hbm.at[pl.ds(p0, cn)], sidx_v)
            pltpu.sync_copy(didx_hbm.at[pl.ds(p0, cn)], didx_v)
            pltpu.sync_copy(sdidx_hbm.at[pl.ds(b0, cb)], sdidx_v)
            pltpu.sync_copy(sum_hbm.at[pl.ds(b0, cb)], sum_v)
            pltpu.async_copy(table_hbm.at[sidx_v], rows_v, sem).wait()
            pltpu.async_copy(rows_v, out_hbm.at[didx_v], sem).wait()
            pltpu.async_copy(sum_v, out_hbm.at[sdidx_v], sem).wait()

    return k


def kernel(x, table):
    batch = x.shape[0]
    t200 = lax.slice(table, (OFFSET + 1, 0), (OFFSET + 1 + MULTI_LEN, EMBED_DIM))
    sum_embed = _multi_hot_sum(x, t200)
    src_idx = x[:, :ONE_HOT].reshape(-1)
    b_ar = jnp.arange(batch, dtype=jnp.int32)
    dst_idx = (b_ar[:, None] * FIELD_NUM
               + jnp.arange(ONE_HOT, dtype=jnp.int32)[None, :]).reshape(-1)
    sum_dst = b_ar * FIELD_NUM + ONE_HOT
    sc = _make_sc_gather(batch)
    out_flat = sc(table, src_idx, dst_idx, sum_embed, sum_dst)
    return out_flat.reshape(batch, FIELD_NUM, EMBED_DIM)

# --- scband reference (transcript-rebuilt; emitter-appended) ---
"""Pipeline reference for scband-embedding-layer-16363825398544 (READ-ONLY COPY).

The authoritative reference and input builder live on the scoring server;
editing this copy changes nothing except your own understanding.
"""

import jax, jax.numpy as jnp
import numpy as np

INPUT_DIM = 1000000
EMBED_DIM = 32
FIELD_NUM = 26
OFFSET = 900000
BATCH = 16384
MULTI_LEN = 200


def setup_inputs(seed: int = 0) -> dict:
    key = jax.random.key(seed)
    k1, k2 = jax.random.split(key)
    # one-hot field indices and multi-hot binary-ish region combined; multi-hot
    # nonzero entries get rewritten to (col+1) inside the forward, so any
    # integer values in [0, INPUT_DIM) are valid for the whole tensor.
    x = jax.random.randint(k1, (BATCH, FIELD_NUM - 1 + MULTI_LEN), 0, INPUT_DIM, dtype=jnp.int32)
    # nn.Embedding(input_dim + 1, embedding_dim, padding_idx=offset): row OFFSET is zeros
    table = jax.random.normal(k2, (INPUT_DIM + 1, EMBED_DIM), dtype=jnp.float32)
    table = table.at[OFFSET].set(0.0)
    return {"x": x, "table": table}


def reference(x, table):
    one_hot_x = x[:, : FIELD_NUM - 1]
    multi_hot_x = x[:, FIELD_NUM - 1 :]
    # embed one-hot fields: [B, field_num-1, D]
    embed_x = jnp.take(table, one_hot_x, axis=0)
    # multi_hot_x[indices[:,0], indices[:,1]] = indices[:,1] + 1 for nonzero entries
    cols = jnp.arange(1, multi_hot_x.shape[1] + 1, dtype=multi_hot_x.dtype)
    multi2 = jnp.where(multi_hot_x != 0, cols[None, :], jnp.zeros_like(multi_hot_x))
    idx = multi2 + OFFSET  # zero entries -> OFFSET (padding row -> zero vector)
    mask = (multi2 != 0).astype(table.dtype)[..., None]
    embed = jnp.take(table, idx, axis=0) * mask  # [B, MULTI_LEN, D]; mask emulates padding_idx
    sum_embed = jnp.sum(embed, axis=1)  # [B, D]
    out = jnp.concatenate([embed_x, sum_embed[:, None, :]], axis=1)  # [B, FIELD_NUM, D]
    return out

if __name__ == "__main__":
    import jax
    _d = setup_inputs()
    print(jax.jit(kernel)(*tuple(_d.values())))

</pallas_src>

<mosaic_0001>
#map = affine_map<(d0, d1) -> (0, 0)>
#map1 = affine_map<(d0, d1) -> (0)>
module attributes {stable_mosaic.version = 14 : i64} {
  func.func @k(%arg0: i32, %arg1: i32, %arg2: memref<1000001x32xf32, #tpu.memory_space<hbm>>, %arg3: memref<409600xi32, #tpu.memory_space<hbm>>, %arg4: memref<409600xi32, #tpu.memory_space<hbm>>, %arg5: memref<16384x32xf32, #tpu.memory_space<hbm>>, %arg6: memref<16384xi32, #tpu.memory_space<hbm>>, %arg7: memref<425984x32xf32, #tpu.memory_space<hbm>>, %arg8: memref<1600xi32, #tpu.memory_space<vmem>>, %arg9: memref<1600xi32, #tpu.memory_space<vmem>>, %arg10: memref<1600x32xf32, #tpu.memory_space<vmem>>, %arg11: memref<64xi32, #tpu.memory_space<vmem>>, %arg12: memref<64x32xf32, #tpu.memory_space<vmem>>, %arg13: memref<!tpu.dma_semaphore, #tpu.memory_space<semaphore_mem>>) attributes {dimension_semantics = [#tpu.dimension_semantics<core_parallel>, #tpu.dimension_semantics<subcore_parallel>], iteration_bounds = array<i64: 2, 16>, scalar_prefetch = 0 : i64, scratch_operands = 6 : i64, tpu.core_type = #tpu.core_type<sc_vector_subcore>, window_params = [{transform_indices = #map}, {transform_indices = #map1}, {transform_indices = #map1}, {transform_indices = #map}, {transform_indices = #map1}, {transform_indices = #map}]} {
    %mul3A = arith.constant 2 : i32
    %mul3A_0 = arith.muli %arg1, %mul3A : i32
    %add3A = arith.addi %mul3A_0, %arg0 : i32
    %mul3A_1 = arith.constant 512 : i32
    %mul3A_2 = arith.muli %add3A, %mul3A_1 : i32
    %add3A_3 = arith.constant 0 : i32
    %add3A_4 = arith.addi %mul3A_2, %add3A_3 : i32
    %mul3A_5 = arith.constant 25 : i32
    %mul3A_6 = arith.muli %add3A_4, %mul3A_5 : i32
    "tpu.region"() ({
      %run_scoped3A = tpu.sem_alloc : memref<!tpu.dma_semaphore, #tpu.memory_space<semaphore_mem>>
      %dma_start3A_177 = tpu.memref_slice %arg3[%mul3A_6] : memref<409600xi32, #tpu.memory_space<hbm>> -> memref<1600xi32, #tpu.memory_space<hbm>>
      %dma_start3A_178 = tpu.memref_slice %arg3[%mul3A_6] : memref<409600xi32, #tpu.memory_space<hbm>> -> memref<1600xi32, #tpu.memory_space<hbm>>
      tpu.enqueue_dma source(%dma_start3A_178 : memref<1600xi32, #tpu.memory_space<hbm>>) target(%arg8 : memref<1600xi32, #tpu.memory_space<vmem>>) target_semaphore(%run_scoped3A : memref<!tpu.dma_semaphore, #tpu.memory_space<semaphore_mem>>)
      %dma_wait3A_179 = tpu.memref_slice %arg3[%mul3A_6] : memref<409600xi32, #tpu.memory_space<hbm>> -> memref<1600xi32, #tpu.memory_space<hbm>>
      %dma_wait3A_180 = tpu.memref_slice %arg3[%mul3A_6] : memref<409600xi32, #tpu.memory_space<hbm>> -> memref<1600xi32, #tpu.memory_space<hbm>>
      tpu.wait_dma2 semaphore(%run_scoped3A : memref<!tpu.dma_semaphore, #tpu.memory_space<semaphore_mem>>) src(%dma_wait3A_180 : memref<1600xi32, #tpu.memory_space<hbm>>) dst(%arg8 : memref<1600xi32, #tpu.memory_space<vmem>>)
      tpu.yield
    }) : () -> ()
    "tpu.region"() ({
      %run_scoped3A = tpu.sem_alloc : memref<!tpu.dma_semaphore, #tpu.memory_space<semaphore_mem>>
      %dma_start3A_177 = tpu.memref_slice %arg4[%mul3A_6] : memref<409600xi32, #tpu.memory_space<hbm>> -> memref<1600xi32, #tpu.memory_space<hbm>>
      %dma_start3A_178 = tpu.memref_slice %arg4[%mul3A_6] : memref<409600xi32, #tpu.memory_space<hbm>> -> memref<1600xi32, #tpu.memory_space<hbm>>
      tpu.enqueue_dma source(%dma_start3A_178 : memref<1600xi32, #tpu.memory_space<hbm>>) target(%arg9 : memref<1600xi32, #tpu.memory_space<vmem>>) target_semaphore(%run_scoped3A : memref<!tpu.dma_semaphore, #tpu.memory_space<semaphore_mem>>)
      %dma_wait3A_179 = tpu.memref_slice %arg4[%mul3A_6] : memref<409600xi32, #tpu.memory_space<hbm>> -> memref<1600xi32, #tpu.memory_space<hbm>>
      %dma_wait3A_180 = tpu.memref_slice %arg4[%mul3A_6] : memref<409600xi32, #tpu.memory_space<hbm>> -> memref<1600xi32, #tpu.memory_space<hbm>>
      tpu.wait_dma2 semaphore(%run_scoped3A : memref<!tpu.dma_semaphore, #tpu.memory_space<semaphore_mem>>) src(%dma_wait3A_180 : memref<1600xi32, #tpu.memory_space<hbm>>) dst(%arg9 : memref<1600xi32, #tpu.memory_space<vmem>>)
      tpu.yield
    }) : () -> ()
    "tpu.region"() ({
      %run_scoped3A = tpu.sem_alloc : memref<!tpu.dma_semaphore, #tpu.memory_space<semaphore_mem>>
      %dma_start3A_177 = tpu.memref_slice %arg6[%add3A_4] : memref<16384xi32, #tpu.memory_space<hbm>> -> memref<64xi32, #tpu.memory_space<hbm>>
      %dma_start3A_178 = tpu.memref_slice %arg6[%add3A_4] : memref<16384xi32, #tpu.memory_space<hbm>> -> memref<64xi32, #tpu.memory_space<hbm>>
      tpu.enqueue_dma source(%dma_start3A_178 : memref<64xi32, #tpu.memory_space<hbm>>) target(%arg11 : memref<64xi32, #tpu.memory_space<vmem>>) target_semaphore(%run_scoped3A : memref<!tpu.dma_semaphore, #tpu.memory_space<semaphore_mem>>)
      %dma_wait3A_179 = tpu.memref_slice %arg6[%add3A_4] : memref<16384xi32, #tpu.memory_space<hbm>> -> memref<64xi32, #tpu.memory_space<hbm>>
      %dma_wait3A_180 = tpu.memref_slice %arg6[%add3A_4] : memref<16384xi32, #tpu.memory_space<hbm>> -> memref<64xi32, #tpu.memory_space<hbm>>
      tpu.wait_dma2 semaphore(%run_scoped3A : memref<!tpu.dma_semaphore, #tpu.memory_space<semaphore_mem>>) src(%dma_wait3A_180 : memref<64xi32, #tpu.memory_space<hbm>>) dst(%arg11 : memref<64xi32, #tpu.memory_space<vmem>>)
      tpu.yield
    }) : () -> ()
    "tpu.region"() ({
      %run_scoped3A = tpu.sem_alloc : memref<!tpu.dma_semaphore, #tpu.memory_space<semaphore_mem>>
      %dma_start3A_177 = arith.constant 0 : i32
      %dma_start3A_178 = tpu.memref_slice %arg5[%add3A_4, %dma_start3A_177] : memref<16384x32xf32, #tpu.memory_space<hbm>> -> memref<64x32xf32, #tpu.memory_space<hbm>>
      %dma_start3A_179 = arith.constant 0 : i32
      %dma_start3A_180 = tpu.memref_slice %arg5[%add3A_4, %dma_start3A_179] : memref<16384x32xf32, #tpu.memory_space<hbm>> -> memref<64x32xf32, #tpu.memory_space<hbm>>
      tpu.enqueue_dma source(%dma_start3A_180 : memref<64x32xf32, #tpu.memory_space<hbm>>) target(%arg12 : memref<64x32xf32, #tpu.memory_space<vmem>>) target_semaphore(%run_scoped3A : memref<!tpu.dma_semaphore, #tpu.memory_space<semaphore_mem>>)
      %dma_wait3A_181 = arith.constant 0 : i32
      %dma_wait3A_182 = tpu.memref_slice %arg5[%add3A_4, %dma_wait3A_181] : memref<16384x32xf32, #tpu.memory_space<hbm>> -> memref<64x32xf32, #tpu.memory_space<hbm>>
      %dma_wait3A_183 = arith.constant 0 : i32
      %dma_wait3A_184 = tpu.memref_slice %arg5[%add3A_4, %dma_wait3A_183] : memref<16384x32xf32, #tpu.memory_space<hbm>> -> memref<64x32xf32, #tpu.memory_space<hbm>>
      tpu.wait_dma2 semaphore(%run_scoped3A : memref<!tpu.dma_semaphore, #tpu.memory_space<semaphore_mem>>) src(%dma_wait3A_184 : memref<64x32xf32, #tpu.memory_space<hbm>>) dst(%arg12 : memref<64x32xf32, #tpu.memory_space<vmem>>)
      tpu.yield
    }) : () -> ()
    %dma_start3A = arith.constant 0 : i32
    %dma_start3A_7 = arith.constant 0 : i32
    %dma_start3A_8 = tpu.memref_slice %arg2[%dma_start3A, %dma_start3A_7] : memref<1000001x32xf32, #tpu.memory_space<hbm>> -> memref<1000001x32xf32, #tpu.memory_space<hbm>>
    tpu.enqueue_indirect_dma source(%dma_start3A_8 : memref<1000001x32xf32, #tpu.memory_space<hbm>>) target(%arg10 : memref<1600x32xf32, #tpu.memory_space<vmem>>) offsets(%arg8 : memref<1600xi32, #tpu.memory_space<vmem>>) semaphore(%arg13 : memref<!tpu.dma_semaphore, #tpu.memory_space<semaphore_mem>>)
    %dma_wait3A = arith.constant 0 : i32
    %dma_wait3A_9 = arith.constant 0 : i32
    %dma_wait3A_10 = tpu.memref_slice %arg2[%dma_wait3A, %dma_wait3A_9] : memref<1000001x32xf32, #tpu.memory_space<hbm>> -> memref<1000001x32xf32, #tpu.memory_space<hbm>>
    tpu.wait_indirect_dma semaphore(%arg13 : memref<!tpu.dma_semaphore, #tpu.memory_space<semaphore_mem>>) src(%dma_wait3A_10 : memref<1000001x32xf32, #tpu.memory_space<hbm>>) dst(%arg10 : memref<1600x32xf32, #tpu.memory_space<vmem>>)
    %dma_start3A_11 = arith.constant 0 : i32
    %dma_start3A_12 = arith.constant 0 : i32
    %dma_start3A_13 = tpu.memref_slice %arg7[%dma_start3A_11, %dma_start3A_12] : memref<425984x32xf32, #tpu.memory_space<hbm>> -> memref<425984x32xf32, #tpu.memory_space<hbm>>
    tpu.enqueue_indirect_dma source(%arg10 : memref<1600x32xf32, #tpu.memory_space<vmem>>) target(%dma_start3A_13 : memref<425984x32xf32, #tpu.memory_space<hbm>>) offsets(%arg9 : memref<1600xi32, #tpu.memory_space<vmem>>) semaphore(%arg13 : memref<!tpu.dma_semaphore, #tpu.memory_space<semaphore_mem>>)
    %dma_wait3A_14 = arith.constant 0 : i32
    %dma_wait3A_15 = arith.constant 0 : i32
    %dma_wait3A_16 = tpu.memref_slice %arg7[%dma_wait3A_14, %dma_wait3A_15] : memref<425984x32xf32, #tpu.memory_space<hbm>> -> memref<425984x32xf32, #tpu.memory_space<hbm>>
    tpu.wait_indirect_dma semaphore(%arg13 : memref<!tpu.dma_semaphore, #tpu.memory_space<semaphore_mem>>) src(%arg10 : memref<1600x32xf32, #tpu.memory_space<vmem>>) dst(%dma_wait3A_16 : memref<425984x32xf32, #tpu.memory_space<hbm>>)
    %dma_start3A_17 = arith.constant 0 : i32
    %dma_start3A_18 = arith.constant 0 : i32
    %dma_start3A_19 = tpu.memref_slice %arg7[%dma_start3A_17, %dma_start3A_18] : memref<425984x32xf32, #tpu.memory_space<hbm>> -> memref<425984x32xf32, #tpu.memory_space<hbm>>
    tpu.enqueue_indirect_dma source(%arg12 : memref<64x32xf32, #tpu.memory_space<vmem>>) target(%dma_start3A_19 : memref<425984x32xf32, #tpu.memory_space<hbm>>) offsets(%arg11 : memref<64xi32, #tpu.memory_space<vmem>>) semaphore(%arg13 : memref<!tpu.dma_semaphore, #tpu.memory_space<semaphore_mem>>)
    %dma_wait3A_20 = arith.constant 0 : i32
    %dma_wait3A_21 = arith.constant 0 : i32
    %dma_wait3A_22 = tpu.memref_slice %arg7[%dma_wait3A_20, %dma_wait3A_21] : memref<425984x32xf32, #tpu.memory_space<hbm>> -> memref<425984x32xf32, #tpu.memory_space<hbm>>
    tpu.wait_indirect_dma semaphore(%arg13 : memref<!tpu.dma_semaphore, #tpu.memory_space<semaphore_mem>>) src(%arg12 : memref<64x32xf32, #tpu.memory_space<vmem>>) dst(%dma_wait3A_22 : memref<425984x32xf32, #tpu.memory_space<hbm>>)
    %add3A_23 = arith.constant 64 : i32
    %add3A_24 = arith.addi %mul3A_2, %add3A_23 : i32
    %mul3A_25 = arith.constant 25 : i32
    %mul3A_26 = arith.muli %add3A_24, %mul3A_25 : i32
    "tpu.region"() ({
      %run_scoped3A = tpu.sem_alloc : memref<!tpu.dma_semaphore, #tpu.memory_space<semaphore_mem>>
      %dma_start3A_177 = tpu.memref_slice %arg3[%mul3A_26] : memref<409600xi32, #tpu.memory_space<hbm>> -> memref<1600xi32, #tpu.memory_space<hbm>>
      %dma_start3A_178 = tpu.memref_slice %arg3[%mul3A_26] : memref<409600xi32, #tpu.memory_space<hbm>> -> memref<1600xi32, #tpu.memory_space<hbm>>
      tpu.enqueue_dma source(%dma_start3A_178 : memref<1600xi32, #tpu.memory_space<hbm>>) target(%arg8 : memref<1600xi32, #tpu.memory_space<vmem>>) target_semaphore(%run_scoped3A : memref<!tpu.dma_semaphore, #tpu.memory_space<semaphore_mem>>)
      %dma_wait3A_179 = tpu.memref_slice %arg3[%mul3A_26] : memref<409600xi32, #tpu.memory_space<hbm>> -> memref<1600xi32, #tpu.memory_space<hbm>>
      %dma_wait3A_180 = tpu.memref_slice %arg3[%mul3A_26] : memref<409600xi32, #tpu.memory_space<hbm>> -> memref<1600xi32, #tpu.memory_space<hbm>>
      tpu.wait_dma2 semaphore(%run_scoped3A : memref<!tpu.dma_semaphore, #tpu.memory_space<semaphore_mem>>) src(%dma_wait3A_180 : memref<1600xi32, #tpu.memory_space<hbm>>) dst(%arg8 : memref<1600xi32, #tpu.memory_space<vmem>>)
      tpu.yield
    }) : () -> ()
    "tpu.region"() ({
      %run_scoped3A = tpu.sem_alloc : memref<!tpu.dma_semaphore, #tpu.memory_space<semaphore_mem>>
      %dma_start3A_177 = tpu.memref_slice %arg4[%mul3A_26] : memref<409600xi32, #tpu.memory_space<hbm>> -> memref<1600xi32, #tpu.memory_space<hbm>>
      %dma_start3A_178 = tpu.memref_slice %arg4[%mul3A_26] : memref<409600xi32, #tpu.memory_space<hbm>> -> memref<1600xi32, #tpu.memory_space<hbm>>
      tpu.enqueue_dma source(%dma_start3A_178 : memref<1600xi32, #tpu.memory_space<hbm>>) target(%arg9 : memref<1600xi32, #tpu.memory_space<vmem>>) target_semaphore(%run_scoped3A : memref<!tpu.dma_semaphore, #tpu.memory_space<semaphore_mem>>)
      %dma_wait3A_179 = tpu.memref_slice %arg4[%mul3A_26] : memref<409600xi32, #tpu.memory_space<hbm>> -> memref<1600xi32, #tpu.memory_space<hbm>>
      %dma_wait3A_180 = tpu.memref_slice %arg4[%mul3A_26] : memref<409600xi32, #tpu.memory_space<hbm>> -> memref<1600xi32, #tpu.memory_space<hbm>>
      tpu.wait_dma2 semaphore(%run_scoped3A : memref<!tpu.dma_semaphore, #tpu.memory_space<semaphore_mem>>) src(%dma_wait3A_180 : memref<1600xi32, #tpu.memory_space<hbm>>) dst(%arg9 : memref<1600xi32, #tpu.memory_space<vmem>>)
      tpu.yield
    }) : () -> ()
    "tpu.region"() ({
      %run_scoped3A = tpu.sem_alloc : memref<!tpu.dma_semaphore, #tpu.memory_space<semaphore_mem>>
      %dma_start3A_177 = tpu.memref_slice %arg6[%add3A_24] : memref<16384xi32, #tpu.memory_space<hbm>> -> memref<64xi32, #tpu.memory_space<hbm>>
      %dma_start3A_178 = tpu.memref_slice %arg6[%add3A_24] : memref<16384xi32, #tpu.memory_space<hbm>> -> memref<64xi32, #tpu.memory_space<hbm>>
      tpu.enqueue_dma source(%dma_start3A_178 : memref<64xi32, #tpu.memory_space<hbm>>) target(%arg11 : memref<64xi32, #tpu.memory_space<vmem>>) target_semaphore(%run_scoped3A : memref<!tpu.dma_semaphore, #tpu.memory_space<semaphore_mem>>)
      %dma_wait3A_179 = tpu.memref_slice %arg6[%add3A_24] : memref<16384xi32, #tpu.memory_space<hbm>> -> memref<64xi32, #tpu.memory_space<hbm>>
      %dma_wait3A_180 = tpu.memref_slice %arg6[%add3A_24] : memref<16384xi32, #tpu.memory_space<hbm>> -> memref<64xi32, #tpu.memory_space<hbm>>
      tpu.wait_dma2 semaphore(%run_scoped3A : memref<!tpu.dma_semaphore, #tpu.memory_space<semaphore_mem>>) src(%dma_wait3A_180 : memref<64xi32, #tpu.memory_space<hbm>>) dst(%arg11 : memref<64xi32, #tpu.memory_space<vmem>>)
      tpu.yield
    }) : () -> ()
    "tpu.region"() ({
      %run_scoped3A = tpu.sem_alloc : memref<!tpu.dma_semaphore, #tpu.memory_space<semaphore_mem>>
      %dma_start3A_177 = arith.constant 0 : i32
      %dma_start3A_178 = tpu.memref_slice %arg5[%add3A_24, %dma_start3A_177] : memref<16384x32xf32, #tpu.memory_space<hbm>> -> memref<64x32xf32, #tpu.memory_space<hbm>>
      %dma_start3A_179 = arith.constant 0 : i32
      %dma_start3A_180 = tpu.memref_slice %arg5[%add3A_24, %dma_start3A_179] : memref<16384x32xf32, #tpu.memory_space<hbm>> -> memref<64x32xf32, #tpu.memory_space<hbm>>
      tpu.enqueue_dma source(%dma_start3A_180 : memref<64x32xf32, #tpu.memory_space<hbm>>) target(%arg12 : memref<64x32xf32, #tpu.memory_space<vmem>>) target_semaphore(%run_scoped3A : memref<!tpu.dma_semaphore, #tpu.memory_space<semaphore_mem>>)
      %dma_wait3A_181 = arith.constant 0 : i32
      %dma_wait3A_182 = tpu.memref_slice %arg5[%add3A_24, %dma_wait3A_181] : memref<16384x32xf32, #tpu.memory_space<hbm>> -> memref<64x32xf32, #tpu.memory_space<hbm>>
      %dma_wait3A_183 = arith.constant 0 : i32
      %dma_wait3A_184 = tpu.memref_slice %arg5[%add3A_24, %dma_wait3A_183] : memref<16384x32xf32, #tpu.memory_space<hbm>> -> memref<64x32xf32, #tpu.memory_space<hbm>>
      tpu.wait_dma2 semaphore(%run_scoped3A : memref<!tpu.dma_semaphore, #tpu.memory_space<semaphore_mem>>) src(%dma_wait3A_184 : memref<64x32xf32, #tpu.memory_space<hbm>>) dst(%arg12 : memref<64x32xf32, #tpu.memory_space<vmem>>)
      tpu.yield
    }) : () -> ()
    %dma_start3A_27 = arith.constant 0 : i32
    %dma_start3A_28 = arith.constant 0 : i32
    %dma_start3A_29 = tpu.memref_slice %arg2[%dma_start3A_27, %dma_start3A_28] : memref<1000001x32xf32, #tpu.memory_space<hbm>> -> memref<1000001x32xf32, #tpu.memory_space<hbm>>
    tpu.enqueue_indirect_dma source(%dma_start3A_29 : memref<1000001x32xf32, #tpu.memory_space<hbm>>) target(%arg10 : memref<1600x32xf32, #tpu.memory_space<vmem>>) offsets(%arg8 : memref<1600xi32, #tpu.memory_space<vmem>>) semaphore(%arg13 : memref<!tpu.dma_semaphore, #tpu.memory_space<semaphore_mem>>)
    %dma_wait3A_30 = arith.constant 0 : i32
    %dma_wait3A_31 = arith.constant 0 : i32
    %dma_wait3A_32 = tpu.memref_slice %arg2[%dma_wait3A_30, %dma_wait3A_31] : memref<1000001x32xf32, #tpu.memory_space<hbm>> -> memref<1000001x32xf32, #tpu.memory_space<hbm>>
    tpu.wait_indirect_dma semaphore(%arg13 : memref<!tpu.dma_semaphore, #tpu.memory_space<semaphore_mem>>) src(%dma_wait3A_32 : memref<1000001x32xf32, #tpu.memory_space<hbm>>) dst(%arg10 : memref<1600x32xf32, #tpu.memory_space<vmem>>)
    %dma_start3A_33 = arith.constant 0 : i32
    %dma_start3A_34 = arith.constant 0 : i32
    %dma_start3A_35 = tpu.memref_slice %arg7[%dma_start3A_33, %dma_start3A_34] : memref<425984x32xf32, #tpu.memory_space<hbm>> -> memref<425984x32xf32, #tpu.memory_space<hbm>>
    tpu.enqueue_indirect_dma source(%arg10 : memref<1600x32xf32, #tpu.memory_space<vmem>>) target(%dma_start3A_35 : memref<425984x32xf32, #tpu.memory_space<hbm>>) offsets(%arg9 : memref<1600xi32, #tpu.memory_space<vmem>>) semaphore(%arg13 : memref<!tpu.dma_semaphore, #tpu.memory_space<semaphore_mem>>)
    %dma_wait3A_36 = arith.constant 0 : i32
    %dma_wait3A_37 = arith.constant 0 : i32
    %dma_wait3A_38 = tpu.memref_slice %arg7[%dma_wait3A_36, %dma_wait3A_37] : memref<425984x32xf32, #tpu.memory_space<hbm>> -> memref<425984x32xf32, #tpu.memory_space<hbm>>
    tpu.wait_indirect_dma semaphore(%arg13 : memref<!tpu.dma_semaphore, #tpu.memory_space<semaphore_mem>>) src(%arg10 : memref<1600x32xf32, #tpu.memory_space<vmem>>) dst(%dma_wait3A_38 : memref<425984x32xf32, #tpu.memory_space<hbm>>)
    %dma_start3A_39 = arith.constant 0 : i32
    %dma_start3A_40 = arith.constant 0 : i32
    %dma_start3A_41 = tpu.memref_slice %arg7[%dma_start3A_39, %dma_start3A_40] : memref<425984x32xf32, #tpu.memory_space<hbm>> -> memref<425984x32xf32, #tpu.memory_space<hbm>>
    tpu.enqueue_indirect_dma source(%arg12 : memref<64x32xf32, #tpu.memory_space<vmem>>) target(%dma_start3A_41 : memref<425984x32xf32, #tpu.memory_space<hbm>>) offsets(%arg11 : memref<64xi32, #tpu.memory_space<vmem>>) semaphore(%arg13 : memref<!tpu.dma_semaphore, #tpu.memory_space<semaphore_mem>>)
    %dma_wait3A_42 = arith.constant 0 : i32
    %dma_wait3A_43 = arith.constant 0 : i32
    %dma_wait3A_44 = tpu.memref_slice %arg7[%dma_wait3A_42, %dma_wait3A_43] : memref<425984x32xf32, #tpu.memory_space<hbm>> -> memref<425984x32xf32, #tpu.memory_space<hbm>>
    tpu.wait_indirect_dma semaphore(%arg13 : memref<!tpu.dma_semaphore, #tpu.memory_space<semaphore_mem>>) src(%arg12 : memref<64x32xf32, #tpu.memory_space<vmem>>) dst(%dma_wait3A_44 : memref<425984x32xf32, #tpu.memory_space<hbm>>)
    %add3A_45 = arith.constant 128 : i32
    %add3A_46 = arith.addi %mul3A_2, %add3A_45 : i32
    %mul3A_47 = arith.constant 25 : i32
    %mul3A_48 = arith.muli %add3A_46, %mul3A_47 : i32
    "tpu.region"() ({
      %run_scoped3A = tpu.sem_alloc : memref<!tpu.dma_semaphore, #tpu.memory_space<semaphore_mem>>
      %dma_start3A_177 = tpu.memref_slice %arg3[%mul3A_48] : memref<409600xi32, #tpu.memory_space<hbm>> -> memref<1600xi32, #tpu.memory_space<hbm>>
      %dma_start3A_178 = tpu.memref_slice %arg3[%mul3A_48] : memref<409600xi32, #tpu.memory_space<hbm>> -> memref<1600xi32, #tpu.memory_space<hbm>>
      tpu.enqueue_dma source(%dma_start3A_178 : memref<1600xi32, #tpu.memory_space<hbm>>) target(%arg8 : memref<1600xi32, #tpu.memory_space<vmem>>) target_semaphore(%run_scoped3A : memref<!tpu.dma_semaphore, #tpu.memory_space<semaphore_mem>>)
      %dma_wait3A_179 = tpu.memref_slice %arg3[%mul3A_48] : memref<409600xi32, #tpu.memory_space<hbm>> -> memref<1600xi32, #tpu.memory_space<hbm>>
      %dma_wait3A_180 = tpu.memref_slice %arg3[%mul3A_48] : memref<409600xi32, #tpu.memory_space<hbm>> -> memref<1600xi32, #tpu.memory_space<hbm>>
      tpu.wait_dma2 semaphore(%run_scoped3A : memref<!tpu.dma_semaphore, #tpu.memory_space<semaphore_mem>>) src(%dma_wait3A_180 : memref<1600xi32, #tpu.memory_space<hbm>>) dst(%arg8 : memref<1600xi32, #tpu.memory_space<vmem>>)
      tpu.yield
    }) : () -> ()
    "tpu.region"() ({
      %run_scoped3A = tpu.sem_alloc : memref<!tpu.dma_semaphore, #tpu.memory_space<semaphore_mem>>
      %dma_start3A_177 = tpu.memref_slice %arg4[%mul3A_48] : memref<409600xi32, #tpu.memory_space<hbm>> -> memref<1600xi32, #tpu.memory_space<hbm>>
      %dma_start3A_178 = tpu.memref_slice %arg4[%mul3A_48] : memref<409600xi32, #tpu.memory_space<hbm>> -> memref<1600xi32, #tpu.memory_space<hbm>>
      tpu.enqueue_dma source(%dma_start3A_178 : memref<1600xi32, #tpu.memory_space<hbm>>) target(%arg9 : memref<1600xi32, #tpu.memory_space<vmem>>) target_semaphore(%run_scoped3A : memref<!tpu.dma_semaphore, #tpu.memory_space<semaphore_mem>>)
      %dma_wait3A_179 = tpu.memref_slice %arg4[%mul3A_48] : memref<409600xi32, #tpu.memory_space<hbm>> -> memref<1600xi32, #tpu.memory_space<hbm>>
      %dma_wait3A_180 = tpu.memref_slice %arg4[%mul3A_48] : memref<409600xi32, #tpu.memory_space<hbm>> -> memref<1600xi32, #tpu.memory_space<hbm>>
      tpu.wait_dma2 semaphore(%run_scoped3A : memref<!tpu.dma_semaphore, #tpu.memory_space<semaphore_mem>>) src(%dma_wait3A_180 : memref<1600xi32, #tpu.memory_space<hbm>>) dst(%arg9 : memref<1600xi32, #tpu.memory_space<vmem>>)
      tpu.yield
    }) : () -> ()
    "tpu.region"() ({
      %run_scoped3A = tpu.sem_alloc : memref<!tpu.dma_semaphore, #tpu.memory_space<semaphore_mem>>
      %dma_start3A_177 = tpu.memref_slice %arg6[%add3A_46] : memref<16384xi32, #tpu.memory_space<hbm>> -> memref<64xi32, #tpu.memory_space<hbm>>
      %dma_start3A_178 = tpu.memref_slice %arg6[%add3A_46] : memref<16384xi32, #tpu.memory_space<hbm>> -> memref<64xi32, #tpu.memory_space<hbm>>
      tpu.enqueue_dma source(%dma_start3A_178 : memref<64xi32, #tpu.memory_space<hbm>>) target(%arg11 : memref<64xi32, #tpu.memory_space<vmem>>) target_semaphore(%run_scoped3A : memref<!tpu.dma_semaphore, #tpu.memory_space<semaphore_mem>>)
      %dma_wait3A_179 = tpu.memref_slice %arg6[%add3A_46] : memref<16384xi32, #tpu.memory_space<hbm>> -> memref<64xi32, #tpu.memory_space<hbm>>
      %dma_wait3A_180 = tpu.memref_slice %arg6[%add3A_46] : memref<16384xi32, #tpu.memory_space<hbm>> -> memref<64xi32, #tpu.memory_space<hbm>>
      tpu.wait_dma2 semaphore(%run_scoped3A : memref<!tpu.dma_semaphore, #tpu.memory_space<semaphore_mem>>) src(%dma_wait3A_180 : memref<64xi32, #tpu.memory_space<hbm>>) dst(%arg11 : memref<64xi32, #tpu.memory_space<vmem>>)
      tpu.yield
    }) : () -> ()
    "tpu.region"() ({
      %run_scoped3A = tpu.sem_alloc : memref<!tpu.dma_semaphore, #tpu.memory_space<semaphore_mem>>
      %dma_start3A_177 = arith.constant 0 : i32
      %dma_start3A_178 = tpu.memref_slice %arg5[%add3A_46, %dma_start3A_177] : memref<16384x32xf32, #tpu.memory_space<hbm>> -> memref<64x32xf32, #tpu.memory_space<hbm>>
      %dma_start3A_179 = arith.constant 0 : i32
      %dma_start3A_180 = tpu.memref_slice %arg5[%add3A_46, %dma_start3A_179] : memref<16384x32xf32, #tpu.memory_space<hbm>> -> memref<64x32xf32, #tpu.memory_space<hbm>>
      tpu.enqueue_dma source(%dma_start3A_180 : memref<64x32xf32, #tpu.memory_space<hbm>>) target(%arg12 : memref<64x32xf32, #tpu.memory_space<vmem>>) target_semaphore(%run_scoped3A : memref<!tpu.dma_semaphore, #tpu.memory_space<semaphore_mem>>)
      %dma_wait3A_181 = arith.constant 0 : i32
      %dma_wait3A_182 = tpu.memref_slice %arg5[%add3A_46, %dma_wait3A_181] : memref<16384x32xf32, #tpu.memory_space<hbm>> -> memref<64x32xf32, #tpu.memory_space<hbm>>
      %dma_wait3A_183 = arith.constant 0 : i32
      %dma_wait3A_184 = tpu.memref_slice %arg5[%add3A_46, %dma_wait3A_183] : memref<16384x32xf32, #tpu.memory_space<hbm>> -> memref<64x32xf32, #tpu.memory_space<hbm>>
      tpu.wait_dma2 semaphore(%run_scoped3A : memref<!tpu.dma_semaphore, #tpu.memory_space<semaphore_mem>>) src(%dma_wait3A_184 : memref<64x32xf32, #tpu.memory_space<hbm>>) dst(%arg12 : memref<64x32xf32, #tpu.memory_space<vmem>>)
      tpu.yield
    }) : () -> ()
    %dma_start3A_49 = arith.constant 0 : i32
    %dma_start3A_50 = arith.constant 0 : i32
    %dma_start3A_51 = tpu.memref_slice %arg2[%dma_start3A_49, %dma_start3A_50] : memref<1000001x32xf32, #tpu.memory_space<hbm>> -> memref<1000001x32xf32, #tpu.memory_space<hbm>>
    tpu.enqueue_indirect_dma source(%dma_start3A_51 : memref<1000001x32xf32, #tpu.memory_space<hbm>>) target(%arg10 : memref<1600x32xf32, #tpu.memory_space<vmem>>) offsets(%arg8 : memref<1600xi32, #tpu.memory_space<vmem>>) semaphore(%arg13 : memref<!tpu.dma_semaphore, #tpu.memory_space<semaphore_mem>>)
    %dma_wait3A_52 = arith.constant 0 : i32
    %dma_wait3A_53 = arith.constant 0 : i32
    %dma_wait3A_54 = tpu.memref_slice %arg2[%dma_wait3A_52, %dma_wait3A_53] : memref<1000001x32xf32, #tpu.memory_space<hbm>> -> memref<1000001x32xf32, #tpu.memory_space<hbm>>
    tpu.wait_indirect_dma semaphore(%arg13 : memref<!tpu.dma_semaphore, #tpu.memory_space<semaphore_mem>>) src(%dma_wait3A_54 : memref<1000001x32xf32, #tpu.memory_space<hbm>>) dst(%arg10 : memref<1600x32xf32, #tpu.memory_space<vmem>>)
    %dma_start3A_55 = arith.constant 0 : i32
    %dma_start3A_56 = arith.constant 0 : i32
    %dma_start3A_57 = tpu.memref_slice %arg7[%dma_start3A_55, %dma_start3A_56] : memref<425984x32xf32, #tpu.memory_space<hbm>> -> memref<425984x32xf32, #tpu.memory_space<hbm>>
    tpu.enqueue_indirect_dma source(%arg10 : memref<1600x32xf32, #tpu.memory_space<vmem>>) target(%dma_start3A_57 : memref<425984x32xf32, #tpu.memory_space<hbm>>) offsets(%arg9 : memref<1600xi32, #tpu.memory_space<vmem>>) semaphore(%arg13 : memref<!tpu.dma_semaphore, #tpu.memory_space<semaphore_mem>>)
    %dma_wait3A_58 = arith.constant 0 : i32
    %dma_wait3A_59 = arith.constant 0 : i32
    %dma_wait3A_60 = tpu.memref_slice %arg7[%dma_wait3A_58, %dma_wait3A_59] : memref<425984x32xf32, #tpu.memory_space<hbm>> -> memref<425984x32xf32, #tpu.memory_space<hbm>>
    tpu.wait_indirect_dma semaphore(%arg13 : memref<!tpu.dma_semaphore, #tpu.memory_space<semaphore_mem>>) src(%arg10 : memref<1600x32xf32, #tpu.memory_space<vmem>>) dst(%dma_wait3A_60 : memref<425984x32xf32, #tpu.memory_space<hbm>>)
    %dma_start3A_61 = arith.constant 0 : i32
    %dma_start3A_62 = arith.constant 0 : i32
    %dma_start3A_63 = tpu.memref_slice %arg7[%dma_start3A_61, %dma_start3A_62] : memref<425984x32xf32, #tpu.memory_space<hbm>> -> memref<425984x32xf32, #tpu.memory_space<hbm>>
    tpu.enqueue_indirect_dma source(%arg12 : memref<64x32xf32, #tpu.memory_space<vmem>>) target(%dma_start3A_63 : memref<425984x32xf32, #tpu.memory_space<hbm>>) offsets(%arg11 : memref<64xi32, #tpu.memory_space<vmem>>) semaphore(%arg13 : memref<!tpu.dma_semaphore, #tpu.memory_space<semaphore_mem>>)
    %dma_wait3A_64 = arith.constant 0 : i32
    %dma_wait3A_65 = arith.constant 0 : i32
    %dma_wait3A_66 = tpu.memref_slice %arg7[%dma_wait3A_64, %dma_wait3A_65] : memref<425984x32xf32, #tpu.memory_space<hbm>> -> memref<425984x32xf32, #tpu.memory_space<hbm>>
    tpu.wait_indirect_dma semaphore(%arg13 : memref<!tpu.dma_semaphore, #tpu.memory_space<semaphore_mem>>) src(%arg12 : memref<64x32xf32, #tpu.memory_space<vmem>>) dst(%dma_wait3A_66 : memref<425984x32xf32, #tpu.memory_space<hbm>>)
    %add3A_67 = arith.constant 192 : i32
    %add3A_68 = arith.addi %mul3A_2, %add3A_67 : i32
    %mul3A_69 = arith.constant 25 : i32
    %mul3A_70 = arith.muli %add3A_68, %mul3A_69 : i32
    "tpu.region"() ({
      %run_scoped3A = tpu.sem_alloc : memref<!tpu.dma_semaphore, #tpu.memory_space<semaphore_mem>>
      %dma_start3A_177 = tpu.memref_slice %arg3[%mul3A_70] : memref<409600xi32, #tpu.memory_space<hbm>> -> memref<1600xi32, #tpu.memory_space<hbm>>
      %dma_start3A_178 = tpu.memref_slice %arg3[%mul3A_70] : memref<409600xi32, #tpu.memory_space<hbm>> -> memref<1600xi32, #tpu.memory_space<hbm>>
      tpu.enqueue_dma source(%dma_start3A_178 : memref<1600xi32, #tpu.memory_space<hbm>>) target(%arg8 : memref<1600xi32, #tpu.memory_space<vmem>>) target_semaphore(%run_scoped3A : memref<!tpu.dma_semaphore, #tpu.memory_space<semaphore_mem>>)
      %dma_wait3A_179 = tpu.memref_slice %arg3[%mul3A_70] : memref<409600xi32, #tpu.memory_space<hbm>> -> memref<1600xi32, #tpu.memory_space<hbm>>
      %dma_wait3A_180 = tpu.memref_slice %arg3[%mul3A_70] : memref<409600xi32, #tpu.memory_space<hbm>> -> memref<1600xi32, #tpu.memory_space<hbm>>
      tpu.wait_dma2 semaphore(%run_scoped3A : memref<!tpu.dma_semaphore, #tpu.memory_space<semaphore_mem>>) src(%dma_wait3A_180 : memref<1600xi32, #tpu.memory_space<hbm>>) dst(%arg8 : memref<1600xi32, #tpu.memory_space<vmem>>)
      tpu.yield
    }) : () -> ()
    "tpu.region"() ({
      %run_scoped3A = tpu.sem_alloc : memref<!tpu.dma_semaphore, #tpu.memory_space<semaphore_mem>>
      %dma_start3A_177 = tpu.memref_slice %arg4[%mul3A_70] : memref<409600xi32, #tpu.memory_space<hbm>> -> memref<1600xi32, #tpu.memory_space<hbm>>
      %dma_start3A_178 = tpu.memref_slice %arg4[%mul3A_70] : memref<409600xi32, #tpu.memory_space<hbm>> -> memref<1600xi32, #tpu.memory_space<hbm>>
      tpu.enqueue_dma source(%dma_start3A_178 : memref<1600xi32, #tpu.memory_space<hbm>>) target(%arg9 : memref<1600xi32, #tpu.memory_space<vmem>>) target_semaphore(%run_scoped3A : memref<!tpu.dma_semaphore, #tpu.memory_space<semaphore_mem>>)
      %dma_wait3A_179 = tpu.memref_slice %arg4[%mul3A_70] : memref<409600xi32, #tpu.memory_space<hbm>> -> memref<1600xi32, #tpu.memory_space<hbm>>
      %dma_wait3A_180 = tpu.memref_slice %arg4[%mul3A_70] : memref<409600xi32, #tpu.memory_space<hbm>> -> memref<1600xi32, #tpu.memory_space<hbm>>
      tpu.wait_dma2 semaphore(%run_scoped3A : memref<!tpu.dma_semaphore, #tpu.memory_space<semaphore_mem>>) src(%dma_wait3A_180 : memref<1600xi32, #tpu.memory_space<hbm>>) dst(%arg9 : memref<1600xi32, #tpu.memory_space<vmem>>)
      tpu.yield
    }) : () -> ()
    "tpu.region"() ({
      %run_scoped3A = tpu.sem_alloc : memref<!tpu.dma_semaphore, #tpu.memory_space<semaphore_mem>>
      %dma_start3A_177 = tpu.memref_slice %arg6[%add3A_68] : memref<16384xi32, #tpu.memory_space<hbm>> -> memref<64xi32, #tpu.memory_space<hbm>>
      %dma_start3A_178 = tpu.memref_slice %arg6[%add3A_68] : memref<16384xi32, #tpu.memory_space<hbm>> -> memref<64xi32, #tpu.memory_space<hbm>>
      tpu.enqueue_dma source(%dma_start3A_178 : memref<64xi32, #tpu.memory_space<hbm>>) target(%arg11 : memref<64xi32, #tpu.memory_space<vmem>>) target_semaphore(%run_scoped3A : memref<!tpu.dma_semaphore, #tpu.memory_space<semaphore_mem>>)
      %dma_wait3A_179 = tpu.memref_slice %arg6[%add3A_68] : memref<16384xi32, #tpu.memory_space<hbm>> -> memref<64xi32, #tpu.memory_space<hbm>>
      %dma_wait3A_180 = tpu.memref_slice %arg6[%add3A_68] : memref<16384xi32, #tpu.memory_space<hbm>> -> memref<64xi32, #tpu.memory_space<hbm>>
      tpu.wait_dma2 semaphore(%run_scoped3A : memref<!tpu.dma_semaphore, #tpu.memory_space<semaphore_mem>>) src(%dma_wait3A_180 : memref<64xi32, #tpu.memory_space<hbm>>) dst(%arg11 : memref<64xi32, #tpu.memory_space<vmem>>)
      tpu.yield
    }) : () -> ()
    "tpu.region"() ({
      %run_scoped3A = tpu.sem_alloc : memref<!tpu.dma_semaphore, #tpu.memory_space<semaphore_mem>>
      %dma_start3A_177 = arith.constant 0 : i32
      %dma_start3A_178 = tpu.memref_slice %arg5[%add3A_68, %dma_start3A_177] : memref<16384x32xf32, #tpu.memory_space<hbm>> -> memref<64x32xf32, #tpu.memory_space<hbm>>
      %dma_start3A_179 = arith.constant 0 : i32
      %dma_start3A_180 = tpu.memref_slice %arg5[%add3A_68, %dma_start3A_179] : memref<16384x32xf32, #tpu.memory_space<hbm>> -> memref<64x32xf32, #tpu.memory_space<hbm>>
      tpu.enqueue_dma source(%dma_start3A_180 : memref<64x32xf32, #tpu.memory_space<hbm>>) target(%arg12 : memref<64x32xf32, #tpu.memory_space<vmem>>) target_semaphore(%run_scoped3A : memref<!tpu.dma_semaphore, #tpu.memory_space<semaphore_mem>>)
      %dma_wait3A_181 = arith.constant 0 : i32
      %dma_wait3A_182 = tpu.memref_slice %arg5[%add3A_68, %dma_wait3A_181] : memref<16384x32xf32, #tpu.memory_space<hbm>> -> memref<64x32xf32, #tpu.memory_space<hbm>>
      %dma_wait3A_183 = arith.constant 0 : i32
      %dma_wait3A_184 = tpu.memref_slice %arg5[%add3A_68, %dma_wait3A_183] : memref<16384x32xf32, #tpu.memory_space<hbm>> -> memref<64x32xf32, #tpu.memory_space<hbm>>
      tpu.wait_dma2 semaphore(%run_scoped3A : memref<!tpu.dma_semaphore, #tpu.memory_space<semaphore_mem>>) src(%dma_wait3A_184 : memref<64x32xf32, #tpu.memory_space<hbm>>) dst(%arg12 : memref<64x32xf32, #tpu.memory_space<vmem>>)
      tpu.yield
    }) : () -> ()
    %dma_start3A_71 = arith.constant 0 : i32
    %dma_start3A_72 = arith.constant 0 : i32
    %dma_start3A_73 = tpu.memref_slice %arg2[%dma_start3A_71, %dma_start3A_72] : memref<1000001x32xf32, #tpu.memory_space<hbm>> -> memref<1000001x32xf32, #tpu.memory_space<hbm>>
    tpu.enqueue_indirect_dma source(%dma_start3A_73 : memref<1000001x32xf32, #tpu.memory_space<hbm>>) target(%arg10 : memref<1600x32xf32, #tpu.memory_space<vmem>>) offsets(%arg8 : memref<1600xi32, #tpu.memory_space<vmem>>) semaphore(%arg13 : memref<!tpu.dma_semaphore, #tpu.memory_space<semaphore_mem>>)
    %dma_wait3A_74 = arith.constant 0 : i32
    %dma_wait3A_75 = arith.constant 0 : i32
    %dma_wait3A_76 = tpu.memref_slice %arg2[%dma_wait3A_74, %dma_wait3A_75] : memref<1000001x32xf32, #tpu.memory_space<hbm>> -> memref<1000001x32xf32, #tpu.memory_space<hbm>>
    tpu.wait_indirect_dma semaphore(%arg13 : memref<!tpu.dma_semaphore, #tpu.memory_space<semaphore_mem>>) src(%dma_wait3A_76 : memref<1000001x32xf32, #tpu.memory_space<hbm>>) dst(%arg10 : memref<1600x32xf32, #tpu.memory_space<vmem>>)
    %dma_start3A_77 = arith.constant 0 : i32
    %dma_start3A_78 = arith.constant 0 : i32
    %dma_start3A_79 = tpu.memref_slice %arg7[%dma_start3A_77, %dma_start3A_78] : memref<425984x32xf32, #tpu.memory_space<hbm>> -> memref<425984x32xf32, #tpu.memory_space<hbm>>
    tpu.enqueue_indirect_dma source(%arg10 : memref<1600x32xf32, #tpu.memory_space<vmem>>) target(%dma_start3A_79 : memref<425984x32xf32, #tpu.memory_space<hbm>>) offsets(%arg9 : memref<1600xi32, #tpu.memory_space<vmem>>) semaphore(%arg13 : memref<!tpu.dma_semaphore, #tpu.memory_space<semaphore_mem>>)
    %dma_wait3A_80 = arith.constant 0 : i32
    %dma_wait3A_81 = arith.constant 0 : i32
    %dma_wait3A_82 = tpu.memref_slice %arg7[%dma_wait3A_80, %dma_wait3A_81] : memref<425984x32xf32, #tpu.memory_space<hbm>> -> memref<425984x32xf32, #tpu.memory_space<hbm>>
    tpu.wait_indirect_dma semaphore(%arg13 : memref<!tpu.dma_semaphore, #tpu.memory_space<semaphore_mem>>) src(%arg10 : memref<1600x32xf32, #tpu.memory_space<vmem>>) dst(%dma_wait3A_82 : memref<425984x32xf32, #tpu.memory_space<hbm>>)
    %dma_start3A_83 = arith.constant 0 : i32
    %dma_start3A_84 = arith.constant 0 : i32
    %dma_start3A_85 = tpu.memref_slice %arg7[%dma_start3A_83, %dma_start3A_84] : memref<425984x32xf32, #tpu.memory_space<hbm>> -> memref<425984x32xf32, #tpu.memory_space<hbm>>
    tpu.enqueue_indirect_dma source(%arg12 : memref<64x32xf32, #tpu.memory_space<vmem>>) target(%dma_start3A_85 : memref<425984x32xf32, #tpu.memory_space<hbm>>) offsets(%arg11 : memref<64xi32, #tpu.memory_space<vmem>>) semaphore(%arg13 : memref<!tpu.dma_semaphore, #tpu.memory_space<semaphore_mem>>)
    %dma_wait3A_86 = arith.constant 0 : i32
    %dma_wait3A_87 = arith.constant 0 : i32
    %dma_wait3A_88 = tpu.memref_slice %arg7[%dma_wait3A_86, %dma_wait3A_87] : memref<425984x32xf32, #tpu.memory_space<hbm>> -> memref<425984x32xf32, #tpu.memory_space<hbm>>
    tpu.wait_indirect_dma semaphore(%arg13 : memref<!tpu.dma_semaphore, #tpu.memory_space<semaphore_mem>>) src(%arg12 : memref<64x32xf32, #tpu.memory_space<vmem>>) dst(%dma_wait3A_88 : memref<425984x32xf32, #tpu.memory_space<hbm>>)
    %add3A_89 = arith.constant 256 : i32
    %add3A_90 = arith.addi %mul3A_2, %add3A_89 : i32
    %mul3A_91 = arith.constant 25 : i32
    %mul3A_92 = arith.muli %add3A_90, %mul3A_91 : i32
    "tpu.region"() ({
      %run_scoped3A = tpu.sem_alloc : memref<!tpu.dma_semaphore, #tpu.memory_space<semaphore_mem>>
      %dma_start3A_177 = tpu.memref_slice %arg3[%mul3A_92] : memref<409600xi32, #tpu.memory_space<hbm>> -> memref<1600xi32, #tpu.memory_space<hbm>>
      %dma_start3A_178 = tpu.memref_slice %arg3[%mul3A_92] : memref<409600xi32, #tpu.memory_space<hbm>> -> memref<1600xi32, #tpu.memory_space<hbm>>
      tpu.enqueue_dma source(%dma_start3A_178 : memref<1600xi32, #tpu.memory_space<hbm>>) target(%arg8 : memref<1600xi32, #tpu.memory_space<vmem>>) target_semaphore(%run_scoped3A : memref<!tpu.dma_semaphore, #tpu.memory_space<semaphore_mem>>)
      %dma_wait3A_179 = tpu.memref_slice %arg3[%mul3A_92] : memref<409600xi32, #tpu.memory_space<hbm>> -> memref<1600xi32, #tpu.memory_space<hbm>>
      %dma_wait3A_180 = tpu.memref_slice %arg3[%mul3A_92] : memref<409600xi32, #tpu.memory_space<hbm>> -> memref<1600xi32, #tpu.memory_space<hbm>>
      tpu.wait_dma2 semaphore(%run_scoped3A : memref<!tpu.dma_semaphore, #tpu.memory_space<semaphore_mem>>) src(%dma_wait3A_180 : memref<1600xi32, #tpu.memory_space<hbm>>) dst(%arg8 : memref<1600xi32, #tpu.memory_space<vmem>>)
      tpu.yield
    }) : () -> ()
    "tpu.region"() ({
      %run_scoped3A = tpu.sem_alloc : memref<!tpu.dma_semaphore, #tpu.memory_space<semaphore_mem>>
      %dma_start3A_177 = tpu.memref_slice %arg4[%mul3A_92] : memref<409600xi32, #tpu.memory_space<hbm>> -> memref<1600xi32, #tpu.memory_space<hbm>>
      %dma_start3A_178 = tpu.memref_slice %arg4[%mul3A_92] : memref<409600xi32, #tpu.memory_space<hbm>> -> memref<1600xi32, #tpu.memory_space<hbm>>
      tpu.enqueue_dma source(%dma_start3A_178 : memref<1600xi32, #tpu.memory_space<hbm>>) target(%arg9 : memref<1600xi32, #tpu.memory_space<vmem>>) target_semaphore(%run_scoped3A : memref<!tpu.dma_semaphore, #tpu.memory_space<semaphore_mem>>)
      %dma_wait3A_179 = tpu.memref_slice %arg4[%mul3A_92] : memref<409600xi32, #tpu.memory_space<hbm>> -> memref<1600xi32, #tpu.memory_space<hbm>>
      %dma_wait3A_180 = tpu.memref_slice %arg4[%mul3A_92] : memref<409600xi32, #tpu.memory_space<hbm>> -> memref<1600xi32, #tpu.memory_space<hbm>>
      tpu.wait_dma2 semaphore(%run_scoped3A : memref<!tpu.dma_semaphore, #tpu.memory_space<semaphore_mem>>) src(%dma_wait3A_180 : memref<1600xi32, #tpu.memory_space<hbm>>) dst(%arg9 : memref<1600xi32, #tpu.memory_space<vmem>>)
      tpu.yield
    }) : () -> ()
    "tpu.region"() ({
      %run_scoped3A = tpu.sem_alloc : memref<!tpu.dma_semaphore, #tpu.memory_space<semaphore_mem>>
      %dma_start3A_177 = tpu.memref_slice %arg6[%add3A_90] : memref<16384xi32, #tpu.memory_space<hbm>> -> memref<64xi32, #tpu.memory_space<hbm>>
      %dma_start3A_178 = tpu.memref_slice %arg6[%add3A_90] : memref<16384xi32, #tpu.memory_space<hbm>> -> memref<64xi32, #tpu.memory_space<hbm>>
      tpu.enqueue_dma source(%dma_start3A_178 : memref<64xi32, #tpu.memory_space<hbm>>) target(%arg11 : memref<64xi32, #tpu.memory_space<vmem>>) target_semaphore(%run_scoped3A : memref<!tpu.dma_semaphore, #tpu.memory_space<semaphore_mem>>)
      %dma_wait3A_179 = tpu.memref_slice %arg6[%add3A_90] : memref<16384xi32, #tpu.memory_space<hbm>> -> memref<64xi32, #tpu.memory_space<hbm>>
      %dma_wait3A_180 = tpu.memref_slice %arg6[%add3A_90] : memref<16384xi32, #tpu.memory_space<hbm>> -> memref<64xi32, #tpu.memory_space<hbm>>
      tpu.wait_dma2 semaphore(%run_scoped3A : memref<!tpu.dma_semaphore, #tpu.memory_space<semaphore_mem>>) src(%dma_wait3A_180 : memref<64xi32, #tpu.memory_space<hbm>>) dst(%arg11 : memref<64xi32, #tpu.memory_space<vmem>>)
      tpu.yield
    }) : () -> ()
    "tpu.region"() ({
      %run_scoped3A = tpu.sem_alloc : memref<!tpu.dma_semaphore, #tpu.memory_space<semaphore_mem>>
      %dma_start3A_177 = arith.constant 0 : i32
      %dma_start3A_178 = tpu.memref_slice %arg5[%add3A_90, %dma_start3A_177] : memref<16384x32xf32, #tpu.memory_space<hbm>> -> memref<64x32xf32, #tpu.memory_space<hbm>>
      %dma_start3A_179 = arith.constant 0 : i32
      %dma_start3A_180 = tpu.memref_slice %arg5[%add3A_90, %dma_start3A_179] : memref<16384x32xf32, #tpu.memory_space<hbm>> -> memref<64x32xf32, #tpu.memory_space<hbm>>
      tpu.enqueue_dma source(%dma_start3A_180 : memref<64x32xf32, #tpu.memory_space<hbm>>) target(%arg12 : memref<64x32xf32, #tpu.memory_space<vmem>>) target_semaphore(%run_scoped3A : memref<!tpu.dma_semaphore, #tpu.memory_space<semaphore_mem>>)
      %dma_wait3A_181 = arith.constant 0 : i32
      %dma_wait3A_182 = tpu.memref_slice %arg5[%add3A_90, %dma_wait3A_181] : memref<16384x32xf32, #tpu.memory_space<hbm>> -> memref<64x32xf32, #tpu.memory_space<hbm>>
      %dma_wait3A_183 = arith.constant 0 : i32
      %dma_wait3A_184 = tpu.memref_slice %arg5[%add3A_90, %dma_wait3A_183] : memref<16384x32xf32, #tpu.memory_space<hbm>> -> memref<64x32xf32, #tpu.memory_space<hbm>>
      tpu.wait_dma2 semaphore(%run_scoped3A : memref<!tpu.dma_semaphore, #tpu.memory_space<semaphore_mem>>) src(%dma_wait3A_184 : memref<64x32xf32, #tpu.memory_space<hbm>>) dst(%arg12 : memref<64x32xf32, #tpu.memory_space<vmem>>)
      tpu.yield
    }) : () -> ()
    %dma_start3A_93 = arith.constant 0 : i32
    %dma_start3A_94 = arith.constant 0 : i32
    %dma_start3A_95 = tpu.memref_slice %arg2[%dma_start3A_93, %dma_start3A_94] : memref<1000001x32xf32, #tpu.memory_space<hbm>> -> memref<1000001x32xf32, #tpu.memory_space<hbm>>
    tpu.enqueue_indirect_dma source(%dma_start3A_95 : memref<1000001x32xf32, #tpu.memory_space<hbm>>) target(%arg10 : memref<1600x32xf32, #tpu.memory_space<vmem>>) offsets(%arg8 : memref<1600xi32, #tpu.memory_space<vmem>>) semaphore(%arg13 : memref<!tpu.dma_semaphore, #tpu.memory_space<semaphore_mem>>)
    %dma_wait3A_96 = arith.constant 0 : i32
    %dma_wait3A_97 = arith.constant 0 : i32
    %dma_wait3A_98 = tpu.memref_slice %arg2[%dma_wait3A_96, %dma_wait3A_97] : memref<1000001x32xf32, #tpu.memory_space<hbm>> -> memref<1000001x32xf32, #tpu.memory_space<hbm>>
    tpu.wait_indirect_dma semaphore(%arg13 : memref<!tpu.dma_semaphore, #tpu.memory_space<semaphore_mem>>) src(%dma_wait3A_98 : memref<1000001x32xf32, #tpu.memory_space<hbm>>) dst(%arg10 : memref<1600x32xf32, #tpu.memory_space<vmem>>)
    %dma_start3A_99 = arith.constant 0 : i32
    %dma_start3A_100 = arith.constant 0 : i32
    %dma_start3A_101 = tpu.memref_slice %arg7[%dma_start3A_99, %dma_start3A_100] : memref<425984x32xf32, #tpu.memory_space<hbm>> -> memref<425984x32xf32, #tpu.memory_space<hbm>>
    tpu.enqueue_indirect_dma source(%arg10 : memref<1600x32xf32, #tpu.memory_space<vmem>>) target(%dma_start3A_101 : memref<425984x32xf32, #tpu.memory_space<hbm>>) offsets(%arg9 : memref<1600xi32, #tpu.memory_space<vmem>>) semaphore(%arg13 : memref<!tpu.dma_semaphore, #tpu.memory_space<semaphore_mem>>)
    %dma_wait3A_102 = arith.constant 0 : i32
    %dma_wait3A_103 = arith.constant 0 : i32
    %dma_wait3A_104 = tpu.memref_slice %arg7[%dma_wait3A_102, %dma_wait3A_103] : memref<425984x32xf32, #tpu.memory_space<hbm>> -> memref<425984x32xf32, #tpu.memory_space<hbm>>
    tpu.wait_indirect_dma semaphore(%arg13 : memref<!tpu.dma_semaphore, #tpu.memory_space<semaphore_mem>>) src(%arg10 : memref<1600x32xf32, #tpu.memory_space<vmem>>) dst(%dma_wait3A_104 : memref<425984x32xf32, #tpu.memory_space<hbm>>)
    %dma_start3A_105 = arith.constant 0 : i32
    %dma_start3A_106 = arith.constant 0 : i32
    %dma_start3A_107 = tpu.memref_slice %arg7[%dma_start3A_105, %dma_start3A_106] : memref<425984x32xf32, #tpu.memory_space<hbm>> -> memref<425984x32xf32, #tpu.memory_space<hbm>>
    tpu.enqueue_indirect_dma source(%arg12 : memref<64x32xf32, #tpu.memory_space<vmem>>) target(%dma_start3A_107 : memref<425984x32xf32, #tpu.memory_space<hbm>>) offsets(%arg11 : memref<64xi32, #tpu.memory_space<vmem>>) semaphore(%arg13 : memref<!tpu.dma_semaphore, #tpu.memory_space<semaphore_mem>>)
    %dma_wait3A_108 = arith.constant 0 : i32
    %dma_wait3A_109 = arith.constant 0 : i32
    %dma_wait3A_110 = tpu.memref_slice %arg7[%dma_wait3A_108, %dma_wait3A_109] : memref<425984x32xf32, #tpu.memory_space<hbm>> -> memref<425984x32xf32, #tpu.memory_space<hbm>>
    tpu.wait_indirect_dma semaphore(%arg13 : memref<!tpu.dma_semaphore, #tpu.memory_space<semaphore_mem>>) src(%arg12 : memref<64x32xf32, #tpu.memory_space<vmem>>) dst(%dma_wait3A_110 : memref<425984x32xf32, #tpu.memory_space<hbm>>)
    %add3A_111 = arith.constant 320 : i32
    %add3A_112 = arith.addi %mul3A_2, %add3A_111 : i32
    %mul3A_113 = arith.constant 25 : i32
    %mul3A_114 = arith.muli %add3A_112, %mul3A_113 : i32
    "tpu.region"() ({
      %run_scoped3A = tpu.sem_alloc : memref<!tpu.dma_semaphore, #tpu.memory_space<semaphore_mem>>
      %dma_start3A_177 = tpu.memref_slice %arg3[%mul3A_114] : memref<409600xi32, #tpu.memory_space<hbm>> -> memref<1600xi32, #tpu.memory_space<hbm>>
      %dma_start3A_178 = tpu.memref_slice %arg3[%mul3A_114] : memref<409600xi32, #tpu.memory_space<hbm>> -> memref<1600xi32, #tpu.memory_space<hbm>>
      tpu.enqueue_dma source(%dma_start3A_178 : memref<1600xi32, #tpu.memory_space<hbm>>) target(%arg8 : memref<1600xi32, #tpu.memory_space<vmem>>) target_semaphore(%run_scoped3A : memref<!tpu.dma_semaphore, #tpu.memory_space<semaphore_mem>>)
      %dma_wait3A_179 = tpu.memref_slice %arg3[%mul3A_114] : memref<409600xi32, #tpu.memory_space<hbm>> -> memref<1600xi32, #tpu.memory_space<hbm>>
      %dma_wait3A_180 = tpu.memref_slice %arg3[%mul3A_114] : memref<409600xi32, #tpu.memory_space<hbm>> -> memref<1600xi32, #tpu.memory_space<hbm>>
      tpu.wait_dma2 semaphore(%run_scoped3A : memref<!tpu.dma_semaphore, #tpu.memory_space<semaphore_mem>>) src(%dma_wait3A_180 : memref<1600xi32, #tpu.memory_space<hbm>>) dst(%arg8 : memref<1600xi32, #tpu.memory_space<vmem>>)
      tpu.yield
    }) : () -> ()
    "tpu.region"() ({
      %run_scoped3A = tpu.sem_alloc : memref<!tpu.dma_semaphore, #tpu.memory_space<semaphore_mem>>
      %dma_start3A_177 = tpu.memref_slice %arg4[%mul3A_114] : memref<409600xi32, #tpu.memory_space<hbm>> -> memref<1600xi32, #tpu.memory_space<hbm>>
      %dma_start3A_178 = tpu.memref_slice %arg4[%mul3A_114] : memref<409600xi32, #tpu.memory_space<hbm>> -> memref<1600xi32, #tpu.memory_space<hbm>>
      tpu.enqueue_dma source(%dma_start3A_178 : memref<1600xi32, #tpu.memory_space<hbm>>) target(%arg9 : memref<1600xi32, #tpu.memory_space<vmem>>) target_semaphore(%run_scoped3A : memref<!tpu.dma_semaphore, #tpu.memory_space<semaphore_mem>>)
      %dma_wait3A_179 = tpu.memref_slice %arg4[%mul3A_114] : memref<409600xi32, #tpu.memory_space<hbm>> -> memref<1600xi32, #tpu.memory_space<hbm>>
      %dma_wait3A_180 = tpu.memref_slice %arg4[%mul3A_114] : memref<409600xi32, #tpu.memory_space<hbm>> -> memref<1600xi32, #tpu.memory_space<hbm>>
      tpu.wait_dma2 semaphore(%run_scoped3A : memref<!tpu.dma_semaphore, #tpu.memory_space<semaphore_mem>>) src(%dma_wait3A_180 : memref<1600xi32, #tpu.memory_space<hbm>>) dst(%arg9 : memref<1600xi32, #tpu.memory_space<vmem>>)
      tpu.yield
    }) : () -> ()
    "tpu.region"() ({
      %run_scoped3A = tpu.sem_alloc : memref<!tpu.dma_semaphore, #tpu.memory_space<semaphore_mem>>
      %dma_start3A_177 = tpu.memref_slice %arg6[%add3A_112] : memref<16384xi32, #tpu.memory_space<hbm>> -> memref<64xi32, #tpu.memory_space<hbm>>
      %dma_start3A_178 = tpu.memref_slice %arg6[%add3A_112] : memref<16384xi32, #tpu.memory_space<hbm>> -> memref<64xi32, #tpu.memory_space<hbm>>
      tpu.enqueue_dma source(%dma_start3A_178 : memref<64xi32, #tpu.memory_space<hbm>>) target(%arg11 : memref<64xi32, #tpu.memory_space<vmem>>) target_semaphore(%run_scoped3A : memref<!tpu.dma_semaphore, #tpu.memory_space<semaphore_mem>>)
      %dma_wait3A_179 = tpu.memref_slice %arg6[%add3A_112] : memref<16384xi32, #tpu.memory_space<hbm>> -> memref<64xi32, #tpu.memory_space<hbm>>
      %dma_wait3A_180 = tpu.memref_slice %arg6[%add3A_112] : memref<16384xi32, #tpu.memory_space<hbm>> -> memref<64xi32, #tpu.memory_space<hbm>>
      tpu.wait_dma2 semaphore(%run_scoped3A : memref<!tpu.dma_semaphore, #tpu.memory_space<semaphore_mem>>) src(%dma_wait3A_180 : memref<64xi32, #tpu.memory_space<hbm>>) dst(%arg11 : memref<64xi32, #tpu.memory_space<vmem>>)
      tpu.yield
    }) : () -> ()
    "tpu.region"() ({
      %run_scoped3A = tpu.sem_alloc : memref<!tpu.dma_semaphore, #tpu.memory_space<semaphore_mem>>
      %dma_start3A_177 = arith.constant 0 : i32
      %dma_start3A_178 = tpu.memref_slice %arg5[%add3A_112, %dma_start3A_177] : memref<16384x32xf32, #tpu.memory_space<hbm>> -> memref<64x32xf32, #tpu.memory_space<hbm>>
      %dma_start3A_179 = arith.constant 0 : i32
      %dma_start3A_180 = tpu.memref_slice %arg5[%add3A_112, %dma_start3A_179] : memref<16384x32xf32, #tpu.memory_space<hbm>> -> memref<64x32xf32, #tpu.memory_space<hbm>>
      tpu.enqueue_dma source(%dma_start3A_180 : memref<64x32xf32, #tpu.memory_space<hbm>>) target(%arg12 : memref<64x32xf32, #tpu.memory_space<vmem>>) target_semaphore(%run_scoped3A : memref<!tpu.dma_semaphore, #tpu.memory_space<semaphore_mem>>)
      %dma_wait3A_181 = arith.constant 0 : i32
      %dma_wait3A_182 = tpu.memref_slice %arg5[%add3A_112, %dma_wait3A_181] : memref<16384x32xf32, #tpu.memory_space<hbm>> -> memref<64x32xf32, #tpu.memory_space<hbm>>
      %dma_wait3A_183 = arith.constant 0 : i32
      %dma_wait3A_184 = tpu.memref_slice %arg5[%add3A_112, %dma_wait3A_183] : memref<16384x32xf32, #tpu.memory_space<hbm>> -> memref<64x32xf32, #tpu.memory_space<hbm>>
      tpu.wait_dma2 semaphore(%run_scoped3A : memref<!tpu.dma_semaphore, #tpu.memory_space<semaphore_mem>>) src(%dma_wait3A_184 : memref<64x32xf32, #tpu.memory_space<hbm>>) dst(%arg12 : memref<64x32xf32, #tpu.memory_space<vmem>>)
      tpu.yield
    }) : () -> ()
    %dma_start3A_115 = arith.constant 0 : i32
    %dma_start3A_116 = arith.constant 0 : i32
    %dma_start3A_117 = tpu.memref_slice %arg2[%dma_start3A_115, %dma_start3A_116] : memref<1000001x32xf32, #tpu.memory_space<hbm>> -> memref<1000001x32xf32, #tpu.memory_space<hbm>>
    tpu.enqueue_indirect_dma source(%dma_start3A_117 : memref<1000001x32xf32, #tpu.memory_space<hbm>>) target(%arg10 : memref<1600x32xf32, #tpu.memory_space<vmem>>) offsets(%arg8 : memref<1600xi32, #tpu.memory_space<vmem>>) semaphore(%arg13 : memref<!tpu.dma_semaphore, #tpu.memory_space<semaphore_mem>>)
    %dma_wait3A_118 = arith.constant 0 : i32
    %dma_wait3A_119 = arith.constant 0 : i32
    %dma_wait3A_120 = tpu.memref_slice %arg2[%dma_wait3A_118, %dma_wait3A_119] : memref<1000001x32xf32, #tpu.memory_space<hbm>> -> memref<1000001x32xf32, #tpu.memory_space<hbm>>
    tpu.wait_indirect_dma semaphore(%arg13 : memref<!tpu.dma_semaphore, #tpu.memory_space<semaphore_mem>>) src(%dma_wait3A_120 : memref<1000001x32xf32, #tpu.memory_space<hbm>>) dst(%arg10 : memref<1600x32xf32, #tpu.memory_space<vmem>>)
    %dma_start3A_121 = arith.constant 0 : i32
    %dma_start3A_122 = arith.constant 0 : i32
    %dma_start3A_123 = tpu.memref_slice %arg7[%dma_start3A_121, %dma_start3A_122] : memref<425984x32xf32, #tpu.memory_space<hbm>> -> memref<425984x32xf32, #tpu.memory_space<hbm>>
    tpu.enqueue_indirect_dma source(%arg10 : memref<1600x32xf32, #tpu.memory_space<vmem>>) target(%dma_start3A_123 : memref<425984x32xf32, #tpu.memory_space<hbm>>) offsets(%arg9 : memref<1600xi32, #tpu.memory_space<vmem>>) semaphore(%arg13 : memref<!tpu.dma_semaphore, #tpu.memory_space<semaphore_mem>>)
    %dma_wait3A_124 = arith.constant 0 : i32
    %dma_wait3A_125 = arith.constant 0 : i32
    %dma_wait3A_126 = tpu.memref_slice %arg7[%dma_wait3A_124, %dma_wait3A_125] : memref<425984x32xf32, #tpu.memory_space<hbm>> -> memref<425984x32xf32, #tpu.memory_space<hbm>>
    tpu.wait_indirect_dma semaphore(%arg13 : memref<!tpu.dma_semaphore, #tpu.memory_space<semaphore_mem>>) src(%arg10 : memref<1600x32xf32, #tpu.memory_space<vmem>>) dst(%dma_wait3A_126 : memref<425984x32xf32, #tpu.memory_space<hbm>>)
    %dma_start3A_127 = arith.constant 0 : i32
    %dma_start3A_128 = arith.constant 0 : i32
    %dma_start3A_129 = tpu.memref_slice %arg7[%dma_start3A_127, %dma_start3A_128] : memref<425984x32xf32, #tpu.memory_space<hbm>> -> memref<425984x32xf32, #tpu.memory_space<hbm>>
    tpu.enqueue_indirect_dma source(%arg12 : memref<64x32xf32, #tpu.memory_space<vmem>>) target(%dma_start3A_129 : memref<425984x32xf32, #tpu.memory_space<hbm>>) offsets(%arg11 : memref<64xi32, #tpu.memory_space<vmem>>) semaphore(%arg13 : memref<!tpu.dma_semaphore, #tpu.memory_space<semaphore_mem>>)
    %dma_wait3A_130 = arith.constant 0 : i32
    %dma_wait3A_131 = arith.constant 0 : i32
    %dma_wait3A_132 = tpu.memref_slice %arg7[%dma_wait3A_130, %dma_wait3A_131] : memref<425984x32xf32, #tpu.memory_space<hbm>> -> memref<425984x32xf32, #tpu.memory_space<hbm>>
    tpu.wait_indirect_dma semaphore(%arg13 : memref<!tpu.dma_semaphore, #tpu.memory_space<semaphore_mem>>) src(%arg12 : memref<64x32xf32, #tpu.memory_space<vmem>>) dst(%dma_wait3A_132 : memref<425984x32xf32, #tpu.memory_space<hbm>>)
    %add3A_133 = arith.constant 384 : i32
    %add3A_134 = arith.addi %mul3A_2, %add3A_133 : i32
    %mul3A_135 = arith.constant 25 : i32
    %mul3A_136 = arith.muli %add3A_134, %mul3A_135 : i32
    "tpu.region"() ({
      %run_scoped3A = tpu.sem_alloc : memref<!tpu.dma_semaphore, #tpu.memory_space<semaphore_mem>>
      %dma_start3A_177 = tpu.memref_slice %arg3[%mul3A_136] : memref<409600xi32, #tpu.memory_space<hbm>> -> memref<1600xi32, #tpu.memory_space<hbm>>
      %dma_start3A_178 = tpu.memref_slice %arg3[%mul3A_136] : memref<409600xi32, #tpu.memory_space<hbm>> -> memref<1600xi32, #tpu.memory_space<hbm>>
      tpu.enqueue_dma source(%dma_start3A_178 : memref<1600xi32, #tpu.memory_space<hbm>>) target(%arg8 : memref<1600xi32, #tpu.memory_space<vmem>>) target_semaphore(%run_scoped3A : memref<!tpu.dma_semaphore, #tpu.memory_space<semaphore_mem>>)
      %dma_wait3A_179 = tpu.memref_slice %arg3[%mul3A_136] : memref<409600xi32, #tpu.memory_space<hbm>> -> memref<1600xi32, #tpu.memory_space<hbm>>
      %dma_wait3A_180 = tpu.memref_slice %arg3[%mul3A_136] : memref<409600xi32, #tpu.memory_space<hbm>> -> memref<1600xi32, #tpu.memory_space<hbm>>
      tpu.wait_dma2 semaphore(%run_scoped3A : memref<!tpu.dma_semaphore, #tpu.memory_space<semaphore_mem>>) src(%dma_wait3A_180 : memref<1600xi32, #tpu.memory_space<hbm>>) dst(%arg8 : memref<1600xi32, #tpu.memory_space<vmem>>)
      tpu.yield
    }) : () -> ()
    "tpu.region"() ({
      %run_scoped3A = tpu.sem_alloc : memref<!tpu.dma_semaphore, #tpu.memory_space<semaphore_mem>>
      %dma_start3A_177 = tpu.memref_slice %arg4[%mul3A_136] : memref<409600xi32, #tpu.memory_space<hbm>> -> memref<1600xi32, #tpu.memory_space<hbm>>
      %dma_start3A_178 = tpu.memref_slice %arg4[%mul3A_136] : memref<409600xi32, #tpu.memory_space<hbm>> -> memref<1600xi32, #tpu.memory_space<hbm>>
      tpu.enqueue_dma source(%dma_start3A_178 : memref<1600xi32, #tpu.memory_space<hbm>>) target(%arg9 : memref<1600xi32, #tpu.memory_space<vmem>>) target_semaphore(%run_scoped3A : memref<!tpu.dma_semaphore, #tpu.memory_space<semaphore_mem>>)
      %dma_wait3A_179 = tpu.memref_slice %arg4[%mul3A_136] : memref<409600xi32, #tpu.memory_space<hbm>> -> memref<1600xi32, #tpu.memory_space<hbm>>
      %dma_wait3A_180 = tpu.memref_slice %arg4[%mul3A_136] : memref<409600xi32, #tpu.memory_space<hbm>> -> memref<1600xi32, #tpu.memory_space<hbm>>
      tpu.wait_dma2 semaphore(%run_scoped3A : memref<!tpu.dma_semaphore, #tpu.memory_space<semaphore_mem>>) src(%dma_wait3A_180 : memref<1600xi32, #tpu.memory_space<hbm>>) dst(%arg9 : memref<1600xi32, #tpu.memory_space<vmem>>)
      tpu.yield
    }) : () -> ()
    "tpu.region"() ({
      %run_scoped3A = tpu.sem_alloc : memref<!tpu.dma_semaphore, #tpu.memory_space<semaphore_mem>>
      %dma_start3A_177 = tpu.memref_slice %arg6[%add3A_134] : memref<16384xi32, #tpu.memory_space<hbm>> -> memref<64xi32, #tpu.memory_space<hbm>>
      %dma_start3A_178 = tpu.memref_slice %arg6[%add3A_134] : memref<16384xi32, #tpu.memory_space<hbm>> -> memref<64xi32, #tpu.memory_space<hbm>>
      tpu.enqueue_dma source(%dma_start3A_178 : memref<64xi32, #tpu.memory_space<hbm>>) target(%arg11 : memref<64xi32, #tpu.memory_space<vmem>>) target_semaphore(%run_scoped3A : memref<!tpu.dma_semaphore, #tpu.memory_space<semaphore_mem>>)
      %dma_wait3A_179 = tpu.memref_slice %arg6[%add3A_134] : memref<16384xi32, #tpu.memory_space<hbm>> -> memref<64xi32, #tpu.memory_space<hbm>>
      %dma_wait3A_180 = tpu.memref_slice %arg6[%add3A_134] : memref<16384xi32, #tpu.memory_space<hbm>> -> memref<64xi32, #tpu.memory_space<hbm>>
      tpu.wait_dma2 semaphore(%run_scoped3A : memref<!tpu.dma_semaphore, #tpu.memory_space<semaphore_mem>>) src(%dma_wait3A_180 : memref<64xi32, #tpu.memory_space<hbm>>) dst(%arg11 : memref<64xi32, #tpu.memory_space<vmem>>)
      tpu.yield
    }) : () -> ()
    "tpu.region"() ({
      %run_scoped3A = tpu.sem_alloc : memref<!tpu.dma_semaphore, #tpu.memory_space<semaphore_mem>>
      %dma_start3A_177 = arith.constant 0 : i32
      %dma_start3A_178 = tpu.memref_slice %arg5[%add3A_134, %dma_start3A_177] : memref<16384x32xf32, #tpu.memory_space<hbm>> -> memref<64x32xf32, #tpu.memory_space<hbm>>
      %dma_start3A_179 = arith.constant 0 : i32
      %dma_start3A_180 = tpu.memref_slice %arg5[%add3A_134, %dma_start3A_179] : memref<16384x32xf32, #tpu.memory_space<hbm>> -> memref<64x32xf32, #tpu.memory_space<hbm>>
      tpu.enqueue_dma source(%dma_start3A_180 : memref<64x32xf32, #tpu.memory_space<hbm>>) target(%arg12 : memref<64x32xf32, #tpu.memory_space<vmem>>) target_semaphore(%run_scoped3A : memref<!tpu.dma_semaphore, #tpu.memory_space<semaphore_mem>>)
      %dma_wait3A_181 = arith.constant 0 : i32
      %dma_wait3A_182 = tpu.memref_slice %arg5[%add3A_134, %dma_wait3A_181] : memref<16384x32xf32, #tpu.memory_space<hbm>> -> memref<64x32xf32, #tpu.memory_space<hbm>>
      %dma_wait3A_183 = arith.constant 0 : i32
      %dma_wait3A_184 = tpu.memref_slice %arg5[%add3A_134, %dma_wait3A_183] : memref<16384x32xf32, #tpu.memory_space<hbm>> -> memref<64x32xf32, #tpu.memory_space<hbm>>
      tpu.wait_dma2 semaphore(%run_scoped3A : memref<!tpu.dma_semaphore, #tpu.memory_space<semaphore_mem>>) src(%dma_wait3A_184 : memref<64x32xf32, #tpu.memory_space<hbm>>) dst(%arg12 : memref<64x32xf32, #tpu.memory_space<vmem>>)
      tpu.yield
    }) : () -> ()
    %dma_start3A_137 = arith.constant 0 : i32
    %dma_start3A_138 = arith.constant 0 : i32
    %dma_start3A_139 = tpu.memref_slice %arg2[%dma_start3A_137, %dma_start3A_138] : memref<1000001x32xf32, #tpu.memory_space<hbm>> -> memref<1000001x32xf32, #tpu.memory_space<hbm>>
    tpu.enqueue_indirect_dma source(%dma_start3A_139 : memref<1000001x32xf32, #tpu.memory_space<hbm>>) target(%arg10 : memref<1600x32xf32, #tpu.memory_space<vmem>>) offsets(%arg8 : memref<1600xi32, #tpu.memory_space<vmem>>) semaphore(%arg13 : memref<!tpu.dma_semaphore, #tpu.memory_space<semaphore_mem>>)
    %dma_wait3A_140 = arith.constant 0 : i32
    %dma_wait3A_141 = arith.constant 0 : i32
    %dma_wait3A_142 = tpu.memref_slice %arg2[%dma_wait3A_140, %dma_wait3A_141] : memref<1000001x32xf32, #tpu.memory_space<hbm>> -> memref<1000001x32xf32, #tpu.memory_space<hbm>>
    tpu.wait_indirect_dma semaphore(%arg13 : memref<!tpu.dma_semaphore, #tpu.memory_space<semaphore_mem>>) src(%dma_wait3A_142 : memref<1000001x32xf32, #tpu.memory_space<hbm>>) dst(%arg10 : memref<1600x32xf32, #tpu.memory_space<vmem>>)
    %dma_start3A_143 = arith.constant 0 : i32
    %dma_start3A_144 = arith.constant 0 : i32
    %dma_start3A_145 = tpu.memref_slice %arg7[%dma_start3A_143, %dma_start3A_144] : memref<425984x32xf32, #tpu.memory_space<hbm>> -> memref<425984x32xf32, #tpu.memory_space<hbm>>
    tpu.enqueue_indirect_dma source(%arg10 : memref<1600x32xf32, #tpu.memory_space<vmem>>) target(%dma_start3A_145 : memref<425984x32xf32, #tpu.memory_space<hbm>>) offsets(%arg9 : memref<1600xi32, #tpu.memory_space<vmem>>) semaphore(%arg13 : memref<!tpu.dma_semaphore, #tpu.memory_space<semaphore_mem>>)
    %dma_wait3A_146 = arith.constant 0 : i32
    %dma_wait3A_147 = arith.constant 0 : i32
    %dma_wait3A_148 = tpu.memref_slice %arg7[%dma_wait3A_146, %dma_wait3A_147] : memref<425984x32xf32, #tpu.memory_space<hbm>> -> memref<425984x32xf32, #tpu.memory_space<hbm>>
    tpu.wait_indirect_dma semaphore(%arg13 : memref<!tpu.dma_semaphore, #tpu.memory_space<semaphore_mem>>) src(%arg10 : memref<1600x32xf32, #tpu.memory_space<vmem>>) dst(%dma_wait3A_148 : memref<425984x32xf32, #tpu.memory_space<hbm>>)
    %dma_start3A_149 = arith.constant 0 : i32
    %dma_start3A_150 = arith.constant 0 : i32
    %dma_start3A_151 = tpu.memref_slice %arg7[%dma_start3A_149, %dma_start3A_150] : memref<425984x32xf32, #tpu.memory_space<hbm>> -> memref<425984x32xf32, #tpu.memory_space<hbm>>
    tpu.enqueue_indirect_dma source(%arg12 : memref<64x32xf32, #tpu.memory_space<vmem>>) target(%dma_start3A_151 : memref<425984x32xf32, #tpu.memory_space<hbm>>) offsets(%arg11 : memref<64xi32, #tpu.memory_space<vmem>>) semaphore(%arg13 : memref<!tpu.dma_semaphore, #tpu.memory_space<semaphore_mem>>)
    %dma_wait3A_152 = arith.constant 0 : i32
    %dma_wait3A_153 = arith.constant 0 : i32
    %dma_wait3A_154 = tpu.memref_slice %arg7[%dma_wait3A_152, %dma_wait3A_153] : memref<425984x32xf32, #tpu.memory_space<hbm>> -> memref<425984x32xf32, #tpu.memory_space<hbm>>
    tpu.wait_indirect_dma semaphore(%arg13 : memref<!tpu.dma_semaphore, #tpu.memory_space<semaphore_mem>>) src(%arg12 : memref<64x32xf32, #tpu.memory_space<vmem>>) dst(%dma_wait3A_154 : memref<425984x32xf32, #tpu.memory_space<hbm>>)
    %add3A_155 = arith.constant 448 : i32
    %add3A_156 = arith.addi %mul3A_2, %add3A_155 : i32
    %mul3A_157 = arith.constant 25 : i32
    %mul3A_158 = arith.muli %add3A_156, %mul3A_157 : i32
    "tpu.region"() ({
      %run_scoped3A = tpu.sem_alloc : memref<!tpu.dma_semaphore, #tpu.memory_space<semaphore_mem>>
      %dma_start3A_177 = tpu.memref_slice %arg3[%mul3A_158] : memref<409600xi32, #tpu.memory_space<hbm>> -> memref<1600xi32, #tpu.memory_space<hbm>>
      %dma_start3A_178 = tpu.memref_slice %arg3[%mul3A_158] : memref<409600xi32, #tpu.memory_space<hbm>> -> memref<1600xi32, #tpu.memory_space<hbm>>
      tpu.enqueue_dma source(%dma_start3A_178 : memref<1600xi32, #tpu.memory_space<hbm>>) target(%arg8 : memref<1600xi32, #tpu.memory_space<vmem>>) target_semaphore(%run_scoped3A : memref<!tpu.dma_semaphore, #tpu.memory_space<semaphore_mem>>)
      %dma_wait3A_179 = tpu.memref_slice %arg3[%mul3A_158] : memref<409600xi32, #tpu.memory_space<hbm>> -> memref<1600xi32, #tpu.memory_space<hbm>>
      %dma_wait3A_180 = tpu.memref_slice %arg3[%mul3A_158] : memref<409600xi32, #tpu.memory_space<hbm>> -> memref<1600xi32, #tpu.memory_space<hbm>>
      tpu.wait_dma2 semaphore(%run_scoped3A : memref<!tpu.dma_semaphore, #tpu.memory_space<semaphore_mem>>) src(%dma_wait3A_180 : memref<1600xi32, #tpu.memory_space<hbm>>) dst(%arg8 : memref<1600xi32, #tpu.memory_space<vmem>>)
      tpu.yield
    }) : () -> ()
    "tpu.region"() ({
      %run_scoped3A = tpu.sem_alloc : memref<!tpu.dma_semaphore, #tpu.memory_space<semaphore_mem>>
      %dma_start3A_177 = tpu.memref_slice %arg4[%mul3A_158] : memref<409600xi32, #tpu.memory_space<hbm>> -> memref<1600xi32, #tpu.memory_space<hbm>>
      %dma_start3A_178 = tpu.memref_slice %arg4[%mul3A_158] : memref<409600xi32, #tpu.memory_space<hbm>> -> memref<1600xi32, #tpu.memory_space<hbm>>
      tpu.enqueue_dma source(%dma_start3A_178 : memref<1600xi32, #tpu.memory_space<hbm>>) target(%arg9 : memref<1600xi32, #tpu.memory_space<vmem>>) target_semaphore(%run_scoped3A : memref<!tpu.dma_semaphore, #tpu.memory_space<semaphore_mem>>)
      %dma_wait3A_179 = tpu.memref_slice %arg4[%mul3A_158] : memref<409600xi32, #tpu.memory_space<hbm>> -> memref<1600xi32, #tpu.memory_space<hbm>>
      %dma_wait3A_180 = tpu.memref_slice %arg4[%mul3A_158] : memref<409600xi32, #tpu.memory_space<hbm>> -> memref<1600xi32, #tpu.memory_space<hbm>>
      tpu.wait_dma2 semaphore(%run_scoped3A : memref<!tpu.dma_semaphore, #tpu.memory_space<semaphore_mem>>) src(%dma_wait3A_180 : memref<1600xi32, #tpu.memory_space<hbm>>) dst(%arg9 : memref<1600xi32, #tpu.memory_space<vmem>>)
      tpu.yield
    }) : () -> ()
    "tpu.region"() ({
      %run_scoped3A = tpu.sem_alloc : memref<!tpu.dma_semaphore, #tpu.memory_space<semaphore_mem>>
      %dma_start3A_177 = tpu.memref_slice %arg6[%add3A_156] : memref<16384xi32, #tpu.memory_space<hbm>> -> memref<64xi32, #tpu.memory_space<hbm>>
      %dma_start3A_178 = tpu.memref_slice %arg6[%add3A_156] : memref<16384xi32, #tpu.memory_space<hbm>> -> memref<64xi32, #tpu.memory_space<hbm>>
      tpu.enqueue_dma source(%dma_start3A_178 : memref<64xi32, #tpu.memory_space<hbm>>) target(%arg11 : memref<64xi32, #tpu.memory_space<vmem>>) target_semaphore(%run_scoped3A : memref<!tpu.dma_semaphore, #tpu.memory_space<semaphore_mem>>)
      %dma_wait3A_179 = tpu.memref_slice %arg6[%add3A_156] : memref<16384xi32, #tpu.memory_space<hbm>> -> memref<64xi32, #tpu.memory_space<hbm>>
      %dma_wait3A_180 = tpu.memref_slice %arg6[%add3A_156] : memref<16384xi32, #tpu.memory_space<hbm>> -> memref<64xi32, #tpu.memory_space<hbm>>
      tpu.wait_dma2 semaphore(%run_scoped3A : memref<!tpu.dma_semaphore, #tpu.memory_space<semaphore_mem>>) src(%dma_wait3A_180 : memref<64xi32, #tpu.memory_space<hbm>>) dst(%arg11 : memref<64xi32, #tpu.memory_space<vmem>>)
      tpu.yield
    }) : () -> ()
    "tpu.region"() ({
      %run_scoped3A = tpu.sem_alloc : memref<!tpu.dma_semaphore, #tpu.memory_space<semaphore_mem>>
      %dma_start3A_177 = arith.constant 0 : i32
      %dma_start3A_178 = tpu.memref_slice %arg5[%add3A_156, %dma_start3A_177] : memref<16384x32xf32, #tpu.memory_space<hbm>> -> memref<64x32xf32, #tpu.memory_space<hbm>>
      %dma_start3A_179 = arith.constant 0 : i32
      %dma_start3A_180 = tpu.memref_slice %arg5[%add3A_156, %dma_start3A_179] : memref<16384x32xf32, #tpu.memory_space<hbm>> -> memref<64x32xf32, #tpu.memory_space<hbm>>
      tpu.enqueue_dma source(%dma_start3A_180 : memref<64x32xf32, #tpu.memory_space<hbm>>) target(%arg12 : memref<64x32xf32, #tpu.memory_space<vmem>>) target_semaphore(%run_scoped3A : memref<!tpu.dma_semaphore, #tpu.memory_space<semaphore_mem>>)
      %dma_wait3A_181 = arith.constant 0 : i32
      %dma_wait3A_182 = tpu.memref_slice %arg5[%add3A_156, %dma_wait3A_181] : memref<16384x32xf32, #tpu.memory_space<hbm>> -> memref<64x32xf32, #tpu.memory_space<hbm>>
      %dma_wait3A_183 = arith.constant 0 : i32
      %dma_wait3A_184 = tpu.memref_slice %arg5[%add3A_156, %dma_wait3A_183] : memref<16384x32xf32, #tpu.memory_space<hbm>> -> memref<64x32xf32, #tpu.memory_space<hbm>>
      tpu.wait_dma2 semaphore(%run_scoped3A : memref<!tpu.dma_semaphore, #tpu.memory_space<semaphore_mem>>) src(%dma_wait3A_184 : memref<64x32xf32, #tpu.memory_space<hbm>>) dst(%arg12 : memref<64x32xf32, #tpu.memory_space<vmem>>)
      tpu.yield
    }) : () -> ()
    %dma_start3A_159 = arith.constant 0 : i32
    %dma_start3A_160 = arith.constant 0 : i32
    %dma_start3A_161 = tpu.memref_slice %arg2[%dma_start3A_159, %dma_start3A_160] : memref<1000001x32xf32, #tpu.memory_space<hbm>> -> memref<1000001x32xf32, #tpu.memory_space<hbm>>
    tpu.enqueue_indirect_dma source(%dma_start3A_161 : memref<1000001x32xf32, #tpu.memory_space<hbm>>) target(%arg10 : memref<1600x32xf32, #tpu.memory_space<vmem>>) offsets(%arg8 : memref<1600xi32, #tpu.memory_space<vmem>>) semaphore(%arg13 : memref<!tpu.dma_semaphore, #tpu.memory_space<semaphore_mem>>)
    %dma_wait3A_162 = arith.constant 0 : i32
    %dma_wait3A_163 = arith.constant 0 : i32
    %dma_wait3A_164 = tpu.memref_slice %arg2[%dma_wait3A_162, %dma_wait3A_163] : memref<1000001x32xf32, #tpu.memory_space<hbm>> -> memref<1000001x32xf32, #tpu.memory_space<hbm>>
    tpu.wait_indirect_dma semaphore(%arg13 : memref<!tpu.dma_semaphore, #tpu.memory_space<semaphore_mem>>) src(%dma_wait3A_164 : memref<1000001x32xf32, #tpu.memory_space<hbm>>) dst(%arg10 : memref<1600x32xf32, #tpu.memory_space<vmem>>)
    %dma_start3A_165 = arith.constant 0 : i32
    %dma_start3A_166 = arith.constant 0 : i32
    %dma_start3A_167 = tpu.memref_slice %arg7[%dma_start3A_165, %dma_start3A_166] : memref<425984x32xf32, #tpu.memory_space<hbm>> -> memref<425984x32xf32, #tpu.memory_space<hbm>>
    tpu.enqueue_indirect_dma source(%arg10 : memref<1600x32xf32, #tpu.memory_space<vmem>>) target(%dma_start3A_167 : memref<425984x32xf32, #tpu.memory_space<hbm>>) offsets(%arg9 : memref<1600xi32, #tpu.memory_space<vmem>>) semaphore(%arg13 : memref<!tpu.dma_semaphore, #tpu.memory_space<semaphore_mem>>)
    %dma_wait3A_168 = arith.constant 0 : i32
    %dma_wait3A_169 = arith.constant 0 : i32
    %dma_wait3A_170 = tpu.memref_slice %arg7[%dma_wait3A_168, %dma_wait3A_169] : memref<425984x32xf32, #tpu.memory_space<hbm>> -> memref<425984x32xf32, #tpu.memory_space<hbm>>
    tpu.wait_indirect_dma semaphore(%arg13 : memref<!tpu.dma_semaphore, #tpu.memory_space<semaphore_mem>>) src(%arg10 : memref<1600x32xf32, #tpu.memory_space<vmem>>) dst(%dma_wait3A_170 : memref<425984x32xf32, #tpu.memory_space<hbm>>)
    %dma_start3A_171 = arith.constant 0 : i32
    %dma_start3A_172 = arith.constant 0 : i32
    %dma_start3A_173 = tpu.memref_slice %arg7[%dma_start3A_171, %dma_start3A_172] : memref<425984x32xf32, #tpu.memory_space<hbm>> -> memref<425984x32xf32, #tpu.memory_space<hbm>>
    tpu.enqueue_indirect_dma source(%arg12 : memref<64x32xf32, #tpu.memory_space<vmem>>) target(%dma_start3A_173 : memref<425984x32xf32, #tpu.memory_space<hbm>>) offsets(%arg11 : memref<64xi32, #tpu.memory_space<vmem>>) semaphore(%arg13 : memref<!tpu.dma_semaphore, #tpu.memory_space<semaphore_mem>>)
    %dma_wait3A_174 = arith.constant 0 : i32
    %dma_wait3A_175 = arith.constant 0 : i32
    %dma_wait3A_176 = tpu.memref_slice %arg7[%dma_wait3A_174, %dma_wait3A_175] : memref<425984x32xf32, #tpu.memory_space<hbm>> -> memref<425984x32xf32, #tpu.memory_space<hbm>>
    tpu.wait_indirect_dma semaphore(%arg13 : memref<!tpu.dma_semaphore, #tpu.memory_space<semaphore_mem>>) src(%arg12 : memref<64x32xf32, #tpu.memory_space<vmem>>) dst(%dma_wait3A_176 : memref<425984x32xf32, #tpu.memory_space<hbm>>)
    return
  }
}

module attributes {stable_mosaic.version = 14 : i64} {
  func.func @_sum_body(%arg0: i32, %arg1: memref<1024x225xi32, #tpu.memory_space<vmem>>, %arg2: memref<200x32xf32, #tpu.memory_space<vmem>>, %arg3: memref<1024x32xf32, #tpu.memory_space<vmem>>) attributes {dimension_semantics = [#tpu.dimension_semantics<arbitrary>], iteration_bounds = array<i64: 16>, scalar_prefetch = 0 : i64, scratch_operands = 0 : i64, tpu.core_type = #tpu.core_type<tc>, window_params = [{transform_indices = @transform_0, window_bounds = array<i64: 1024, 225>}, {pipeline_mode = #tpu.pipeline_mode<synchronous>, transform_indices = @transform_1, window_bounds = array<i64: 200, 32>}, {transform_indices = @transform_2, window_bounds = array<i64: 1024, 32>}]} {
    %get3A = arith.constant 0 : index
    %get3A_0 = arith.constant 25 : index
    %get3A_1 = vector.load %arg1[%get3A, %get3A_0] : memref<1024x225xi32, #tpu.memory_space<vmem>>, vector<1024x200xi32>
    %ne3A = arith.constant 0 : i32
    %ne3A_2 = vector.broadcast %ne3A : i32 to vector<1024x200xi32>
    %ne3A_3 = arith.cmpi ne, %get3A_1, %ne3A_2 : vector<1024x200xi32>
    %convert_element_type3A = arith.extui %ne3A_3 : vector<1024x200xi1> to vector<1024x200xi32>
    %convert_element_type3A_4 = arith.sitofp %convert_element_type3A : vector<1024x200xi32> to vector<1024x200xf32>
    %get3A_5 = arith.constant 0 : index
    %get3A_6 = arith.constant 0 : index
    %get3A_7 = vector.load %arg2[%get3A_5, %get3A_6] : memref<200x32xf32, #tpu.memory_space<vmem>>, vector<200x32xf32>
    %dot_general3A = arith.constant dense<0.000000e+00> : vector<1024x32xf32>
    %dot_general3A_8 = tpu.matmul %convert_element_type3A_4, %get3A_7, %dot_general3A {dimension_numbers = #tpu.dot_dimension_numbers<[1], [0], [0], [1], [0, 0, 1, 1], [], []>, transpose_lhs_hint = false} : vector<1024x200xf32>, vector<200x32xf32>, vector<1024x32xf32> -> vector<1024x32xf32>
    %swap3A = arith.constant 0 : index
    %swap3A_9 = arith.constant 0 : index
    %swap3A_10 = vector.load %arg3[%swap3A, %swap3A_9] : memref<1024x32xf32, #tpu.memory_space<vmem>>, vector<1024x32xf32>
    tpu.vector_store %arg3[%swap3A, %swap3A_9], %dot_general3A_8 {strides = array<i32>} : memref<1024x32xf32, #tpu.memory_space<vmem>>, vector<1024x32xf32>,
    return
  }
  func.func @transform_0(%arg0: i32) -> (i32, i32) {
    %c0_i32 = arith.constant 0 : i32
    %c0_i32_0 = arith.constant 0 : i32
    return %arg0, %c0_i32 : i32, i32
  }
  func.func @transform_1(%arg0: i32) -> (i32, i32) {
    %c0_i32 = arith.constant 0 : i32
    %c0_i32_0 = arith.constant 0 : i32
    %c0_i32_1 = arith.constant 0 : i32
    return %c0_i32, %c0_i32_0 : i32, i32
  }
  func.func @transform_2(%arg0: i32) -> (i32, i32) {
    %c0_i32 = arith.constant 0 : i32
    %c0_i32_0 = arith.constant 0 : i32
    return %arg0, %c0_i32 : i32, i32
  }
}

</mosaic_0001>

<sc_bundles>
// kernel: kernel.4.cloned.1.call-start
scs
__scs_entry_jumppad:
0x0: {  	(pc) =	sbr.rel $0x88, $3  }
0x1: {  	(tag) =	ssettag $0x0;
	lr =	simm.s32 $0x1  }
0x2: {  	[smem:$0x3F9F] =	sst lr;
	_ =	strace $0xD0000000  }
0x3: {  	_ = 	snop  }
0x4: {  	_ = 	snop  }
0x5: {  	_ = 	snop  }
0x6: {  	_ = 	snop  }
0x7: {  	_ = 	snop  }
__scs_overlays_trampoline_lowered:
0x8: {  	[smem:$0x3FAE] =	sst s0  }
0x9: {  	[smem:$0x3FAF] =	sst s1  }
0xa: {  	[smem:$0x3FB0] =	sst s2  }
0xb: {  	[smem:$0x3FB1] =	sst s3  }
0xc: {  	[smem:$0x3FB2] =	sst s4  }
0xd: {  	[smem:$0x3FB3] =	sst s5  }
0xe: {  	[smem:$0x3FB4] =	sst s6  }
0xf: {  	[smem:$0x3FB5] =	sst s7  }
0x10: {  	[smem:$0x3FB6] =	sst s8  }
0x11: {  	[smem:$0x3FB7] =	sst s9;
	s0 =	simm.s32 @!p0 $0x0  }
0x12: {  	s1 =	sld [smem:$0x3F9D];
	s0 =	simm.s32 @p0 $0x1  }
0x13: {  	[smem:$0x3FB8] =	sst s0;
	s0 =	simm.s32 @!p1 $0x0  }
0x14: {  	s2 =	sld [smem:$0x3F9C];
	s0 =	simm.s32 @p1 $0x1  }
0x15: {  	[smem:$0x3FB9] =	sst s0;
	s0 =	simm.s32 @!p2 $0x0  }
0x16: {  	s3 =	sld [smem:$0x3FDB];
	s0 =	simm.s32 @p2 $0x1  }
0x17: {  	s4 =	simm.s32 $0x1BF5;
	[smem:$0x3FBB] =	sst s0  }
0x18: {  	s0 =	sld [smem:$0x3F9E];
	_ =	swait.ge [sflag:s4], $0x0  }
0x19: {  	s7 =	sld [smem:$0x3F9F]  }
0x1a: {  	s8 =	sadd.s32 $0xFFFFE003, lr  }
0x1b: {  	s9 =	sadd.s32 $0xFFFFFEF7, lr;
	s5 =	simm.s32 $0xFFFFFFFF;
	p2 =	slt.u32 s8, $0xFFFFF086  }
0x1c: {  	p1 =	slt.u32 s9, $0xF7A;
	s5 =	simm.s32 @!p2 $0x0  }
0x1d: {  	s5 =	simm.s32 @p1 $0x1;
	p0 =	seq.s32 s7, s2  }
0x1e: {  	s7 =	smul.u32 @!p0 $0xF7A, s2;
	p2 =	seq.s32 @!p0 s5, $0x0  }
0x1f: {  	s9 =	smul.u32 $0xF7A, s1;
	s8 =	simm.s32 @!p0 $0x1BF5;
	p2 =	por !p2, p0  }
0x20: {  	[sflag:s8] =	ssyncset.s32 @!p0 $0xFFFFF086;
	s6 =	sadd.s32 @!p0 s3, s7;
	s7 =	simm.s32 @!p0 $0x108  }
0x21: {  	s3 =	sadd.s32 s3, s9;
	s6 =	sadd.s32 @!p0 $0x88, s6;
	s7 =	simm.s32 @p2 $0x1082  }
0x22: {  	[simem:s7], [sflag:s8] =	dma.local @!p0 [hbm:s6], $0xF7A  }
0x23: {  	s9 =	sor.u32 $0xD0000000, s2;
	s6 =	simm.s32 $0x108;
	_ =	swait.ge @!p0 [sflag:s8], $0x0  }
0x24: {  	s3 =	sadd.s32 $0x88, s3;
	s6 =	simm.s32 @!p1 $0x1082;
	[sflag:s4] =	ssyncset.s32 $0xFFFFF086  }
0x25: {  	[simem:s6], [sflag:s4] =	dma.local [hbm:s3], $0xF7A  }
0x26: {  	[smem:$0x3F9F] =	sst s1;
	(tag) =	ssettag s2;
	_ =	strace s9  }
0x27: {  	s1 =	sld [smem:$0x3FAF]  }
0x28: {  	s2 =	sld [smem:$0x3FB0]  }
0x29: {  	s4 =	sld [smem:$0x3FB2]  }
0x2a: {  	p0 =	seq.s32 s5, $0x0;
	s5 =	sld [smem:$0x3FB3]  }
0x2b: {  	s6 =	sld [smem:$0x3FB4]  }
0x2c: {  	s7 =	sld [smem:$0x3FB5]  }
0x2d: {  	s3 =	simm.s32 $0x108;
	s8 =	sld [smem:$0x3FB6]  }
0x2e: {  	s3 =	simm.s32 @!p0 $0x1082;
	s9 =	sld [smem:$0x3FB7]  }
0x2f: {  	lr =	sadd.s32 s0, s3;
	s0 =	sld [smem:$0x3FAE]  }
0x30: {  	s3 =	sld [smem:$0x3FB1]  }
0x31: {  	[smem:$0x3FBA] =	sst s10  }
0x32: {  	s10 =	sld [smem:$0x3FB8];
	_ =	sdelay $0x3  }
0x33: {  	p0 =	seq.s32 s10, $0x1;
	s10 =	sld [smem:$0x3FBA];
	_ =	sdelay $0x3  }
0x34: {  	[smem:$0x3FBA] =	sst s10  }
0x35: {  	s10 =	sld [smem:$0x3FB9];
	_ =	sdelay $0x3  }
0x36: {  	p1 =	seq.s32 s10, $0x1;
	s10 =	sld [smem:$0x3FBA];
	_ =	sdelay $0x3  }
0x37: {  	[smem:$0x3FBA] =	sst s10  }
0x38: {  	s10 =	sld [smem:$0x3FBB]  }
0x39: {  	_ = 	snop;
	(pc) =	sbr.ind lr, $3  }
0x3a: {  	_ = 	snop  }
0x3b: {  	_ = 	snop  }
0x3c: {  	p2 =	seq.s32 s10, $0x1;
	s10 =	sld [smem:$0x3FBA]  }
0x3d: {  	_ =	shalt  }
0x3e: {  	_ =	shalt  }
0x3f: {  	_ =	shalt  }
0x40: {  	_ =	shalt  }
0x41: {  	_ =	shalt  }
0x42: {  	_ =	shalt  }
0x43: {  	_ =	shalt  }
0x44: {  	_ =	shalt  }
0x45: {  	_ =	shalt  }
0x46: {  	_ =	shalt  }
0x47: {  	_ =	shalt  }
0x48: {  	_ =	shalt  }
0x49: {  	_ =	shalt  }
0x4a: {  	_ =	shalt  }
0x4b: {  	_ =	shalt  }
0x4c: {  	_ =	shalt  }
0x4d: {  	_ =	shalt  }
0x4e: {  	_ =	shalt  }
0x4f: {  	_ =	shalt  }
0x50: {  	_ =	shalt  }
0x51: {  	_ =	shalt  }
0x52: {  	_ =	shalt  }
0x53: {  	_ =	shalt  }
0x54: {  	_ =	shalt  }
0x55: {  	_ =	shalt  }
0x56: {  	_ =	shalt  }
0x57: {  	_ =	shalt  }
0x58: {  	_ =	shalt  }
0x59: {  	_ =	shalt  }
0x5a: {  	_ =	shalt  }
0x5b: {  	_ =	shalt  }
0x5c: {  	_ =	shalt  }
0x5d: {  	_ =	shalt  }
0x5e: {  	_ =	shalt  }
0x5f: {  	_ =	shalt  }
0x60: {  	_ =	shalt  }
0x61: {  	_ =	shalt  }
0x62: {  	_ =	shalt  }
0x63: {  	_ =	shalt  }
0x64: {  	_ =	shalt  }
0x65: {  	_ =	shalt  }
0x66: {  	_ =	shalt  }
0x67: {  	_ =	shalt  }
0x68: {  	_ =	shalt  }
0x69: {  	_ =	shalt  }
0x6a: {  	_ =	shalt  }
0x6b: {  	_ =	shalt  }
0x6c: {  	_ =	shalt  }
0x6d: {  	_ =	shalt  }
0x6e: {  	_ =	shalt  }
0x6f: {  	_ =	shalt  }
0x70: {  	_ =	shalt  }
0x71: {  	_ =	shalt  }
0x72: {  	_ =	shalt  }
0x73: {  	_ =	shalt  }
0x74: {  	_ =	shalt  }
0x75: {  	_ =	shalt  }
0x76: {  	_ =	shalt  }
0x77: {  	_ =	shalt  }
0x78: {  	_ =	shalt  }
0x79: {  	_ =	shalt  }
0x7a: {  	_ =	shalt  }
0x7b: {  	_ =	shalt  }
0x7c: {  	_ =	shalt  }
0x7d: {  	_ =	shalt  }
0x7e: {  	_ =	shalt  }
0x7f: {  	_ =	shalt  }
0x80: {  	_ =	shalt  }
0x81: {  	_ =	shalt  }
0x82: {  	_ =	shalt  }
0x83: {  	_ =	shalt  }
0x84: {  	_ =	shalt  }
0x85: {  	_ =	shalt  }
0x86: {  	_ =	shalt  }
0x87: {  	_ =	shalt  }
.Lfunc_end0:
.L_simem_size_0:
called_computation.1_lowered:
.L_overlay_start_0:
0x88: {  	s2 =	sld [smem:$0x3FD9]  }
0x89: {  	s3 =	sld [smem:$0x3FFE];
	_ =	sdelay $0x1  }
0x8a: {  	s1 =	srdreg.scid  }
0x8b: {  	s0 =	sand.u32 $0x1, s1  }
0x8c: {  	s17 =	sshll.u32 s0, $0xA;
	s2 =	sadd.s32 s3, s2  }
0x8d: {  	s2 =	sadd.s32 s2, s17  }
0x8e: {  	[smem:$0x3FC6] =	sst s2  }
0x8f: {  	_ = 	snop  }
0x90: {  	s2 =	sld [smem:$0x3FD0];
	(tm) =	ssettm $0x1  }
0x91: {  	s18 =	sld [smem:$0x3FFB];
	_ =	sdelay $0x3  }
0x92: {  	_ =	strace s18  }
0x93: {  	s3 =	sld [smem:$0x3FFC];
	_ =	sdelay $0x3  }
0x94: {  	_ =	strace s3  }
0x95: {  	s3 =	sld [smem:$0x3FFD];
	_ =	sdelay $0x3  }
0x96: {  	_ =	strace s3  }
0x97: {  	_ =	strace $0x8FFFFFFF  }
0x98: {  	s19 =	sld [smem:$0x3FDB];
	_ =	sdelay $0x1  }
0x99: {  	s4 =	simm.s32 $_scs_section_size  }
0x9a: {  	s5 =	simm.s32 $_size__tile_overlayer_lowered;
	s6 =	simm.s32 $_tile_overlayer_lowered  }
0x9b: {  	s22 =	simm.s32 $0x1BFF;
	s21 =	sshll.u32 s6, $0x1;
	s3 =	sadd.s32 s4, s19  }
0x9c: {  	s7 =	simm.s32 $0x0;
	s20 =	sshll.u32 s5, $0x1;
	s5 =	sadd.s32 s21, s3  }
0x9d: {  	[timem:s7], [sflag:s22] =	dma.local [hbm:s5], s20  }
0x9e: {  	_ =	swait.ge [sflag:s22], s20  }
0x9f: {  	s4 =	ssub.s32 $0x0, s20;
	[sflag:s22] =	ssyncset.done $0x0  }
0xa0: {  	[sflag:s22] =	ssyncadd.s32 s4;
	_ =	sdelay $0x1  }
0xa1: {  	s23 =	simm.s32 $0x1B8B  }
0xa2: {  	_ =	swait.ge [sflag:s23], $0x1  }
0xa3: {  	[sflag:s23] =	ssyncset.done $0x0  }
0xa4: {  	s25 =	simm.s32 $0x1B8E;
	s24 =	sld [smem:$0x3FFE];
	[sflag:s23] =	ssyncadd.s32 $0xFFFFFFFF  }
0xa5: {  	s26 =	simm.s32 $execute0_lowered;
	[smem:$0x3FD2] =	sst s25  }
0xa6: {  	s5 =	sshll.u32 s26, $0x1;
	_ =	strace $0x80000046;
	[dreg:$0x1] =	wrdreg $0xFFFFFFFF  }
0xa7: {  	s28 =	simm.s32 $_size_execute0_lowered;
	s3 =	sadd.s32 s3, s5;
	[dreg:$0x0] =	wrdreg $0x0  }
0xa8: {  	s5 =	sshll.u32 s28, $0x1;
	[dreg:$0x2] =	wrdreg s3  }
0xa9: {  	[dreg:$0x3] =	wrdreg s5  }
0xaa: {  	[dreg:$0x4] =	wrdreg $0xC0  }
0xab: {  	_ =	task [dreg:s7], $0x5FFFF  }
0xac: {  	[dreg:$0x1] =	wrdreg $0xFFFFFFFF  }
0xad: {  	[dreg:$0x0] =	wrdreg $0x60  }
0xae: {  	[dreg:$0x2] =	wrdreg s24  }
0xaf: {  	[dreg:$0x3] =	wrdreg s2  }
0xb0: {  	[dreg:$0x4] =	wrdreg $0x9  }
0xb1: {  	_ =	task.clear_ibuf [dreg:s7], $0x5FFFF;
	_ =	strace $0x90000046  }
0xb2: {  	s29 =	simm.s32 $0x9;
	_ =	strace $0x80000048  }
0xb3: {  	_ =	swait.ge [sflag:s29], $0x1  }
0xb4: {  	[sflag:s29] =	ssyncadd.s32 $0xFFFFFFFF  }
0xb5: {  	_ =	strace $0x90000048  }
0xb6: {  	_ =	sfence  }
0xb7: {  	s30 =	sld [smem:$0x0];
	_ =	sdelay $0x2  }
0xb8: {  	s31 =	sshll.u32 s1, $0xD;
	s1 =	sshrl.u32 s1, $0x2  }
0xb9: {  	s3 =	sand.u32 $0x4000, s31;
	s1 =	sadd.s32 s1, s30  }
0xba: {  	s0 =	sor.u32 s3, s0;
	s1 =	sshll.u32 s1, $0x11  }
0xbb: {  	s0 =	sor.u32 s1, s0  }
0xbc: {  	s0 =	sadd.s32 $0x8F2B, s0  }
0xbd: {  	[sflag:s0] =	ssyncadd.remote.s32 $0x1  }
0xbe: {  	_ =	sfence.sel $0xFFFF  }
0xbf: {  	[dreg:$0x0] =	wrdreg $0xFFFFFFFF;
	(pc) =	sbr.abs _section_cstart, $3  }
0xc0: {  	[dreg:$0x1] =	wrdreg $0xFFFFFFFF  }
0xc1: {  	_ =	task.clear_ibuf [dreg:s7], $0x2FFFF;
	_ =	strace $0x9FFFFFFF  }
0xc2: {  	(tm) =	ssettm $0x7FFFFFFF  }
0xc3: {  	_ =	shalt  }
tec
execute0_lowered:
.L_overlay_start_1:
0x0: {  	(tag) =	ssettag $0x1  }
0x1: {  	s8 =	rddreg [dreg:$0x0]  }
0x2: {  	s0 =	srdreg.scid;
	s1 =	stileid.u32  }
0x3: {  	s2 =	rddreg [dreg:$0x1];
	s3 =	simm.s32 $0x0;
	s4 =	sand.u32 $0x1, s0  }
0x4: {  	s16 =	sshll.u32 s1, $0x1;
	[smem:$0x7FF] =	sst s3;
	s28 =	sadd.s32 $0x11400, s8  }
0x5: {  	s29 =	sadd.s32 $0x1DC00, s8;
	[dreg:$0x10] =	wrdreg s4;
	s4 =	sor.u32 s4, s16  }
0x6: {  	s31 =	sadd.s32 $0x1400, s8;
	s30 =	sadd.s32 $0xC00, s8;
	s5 =	smul.u32 $0x640, s4  }
0x7: {  	_ =	strace $0x80000047;
	s0 =	sshll.u32 s4, $0x9;
	s7 =	sshll.u32 s4, $0x6  }
0x8: {  	s4 =	sshll.u32 s4, $0xB;
	s17 =	sor.u32 $0x40, s0;
	s18 =	sadd.s32 s30, s7  }
0x9: {  	s4 =	sadd.s32 s31, s4;
	s21 =	sor.u32 $0x80, s0;
	[dreg:$0x5] =	wrdreg s18  }
0xa: {  	s14 =	sor.u32 $0xC0, s0;
	s6 =	sadd.s32 s28, s5;
	[dreg:$0x6] =	wrdreg s4  }
0xb: {  	s5 =	sadd.s32 s29, s5;
	s22 =	sshrl.u32 s17, $0x3;
	[dreg:$0x3] =	wrdreg s6  }
0xc: {  	s9 =	smul.u32 $0x19, s17;
	[dreg:$0x4] =	wrdreg s5;
	s24 =	sadd.s32 s30, s22  }
0xd: {  	s23 =	smul.u32 $0x19, s21;
	s4 =	sshll.u32 s21, $0x2;
	[dreg:$0x9] =	wrdreg s24  }
0xe: {  	s6 =	sshll.u32 s17, $0x2;
	s4 =	sadd.s32 s31, s4;
	s11 =	rddreg [dreg:$0x3]  }
0xf: {  	s7 =	sshrl.u32 s21, $0x3;
	s25 =	sadd.s32 s31, s6;
	[dreg:$0xe] =	wrdreg s4  }
0x10: {  	s19 =	sshrl.u32 s9, $0x3;
	s9 =	sadd.s32 s30, s7;
	[dreg:$0xa] =	wrdreg s25  }
0x11: {  	s10 =	smul.u32 $0x19, s14;
	s20 =	sadd.s32 s28, s19;
	[dreg:$0xd] =	wrdreg s9  }
0x12: {  	[tilespmem:s3], [sflag:$0x2] =	stream.linear.gather [hbm4b:s11+s3], $0x640, $0x38;
	[tilespmem:$0xDCC0] =	vst v63  }
0x13: {  	s26 =	sshrl.u32 s23, $0x3;
	s5 =	sadd.s32 s29, s19;
	[dreg:$0x7] =	wrdreg s20  }
0x14: {  	s1 =	sadd.s32 s28, s26;
	[dreg:$0x8] =	wrdreg s5  }
0x15: {  	s12 =	sshrl.u32 s10, $0x3;
	s6 =	sadd.s32 s29, s26;
	[dreg:$0xb] =	wrdreg s1  }
0x16: {  	s13 =	sadd.s32 s28, s12;
	[dreg:$0xc] =	wrdreg s6  }
0x17: {  	s4 =	simm.s32 $0x2;
	[dreg:$0xf] =	wrdreg s13  }
0x18: {  	_ =	swait.ge [sflag:s4], $0x640  }
0x19: {  	[sflag:s4] =	ssyncset.done $0x0  }
0x1a: {  	s5 =	simm.s32 $0x640;
	s15 =	rddreg [dreg:$0x4];
	[sflag:s4] =	ssyncadd.s32 $0xFFFFF9C0  }
0x1b: {  	[tilespmem:s5], [sflag:$0x2] =	stream.linear.gather [hbm4b:s15+s3], $0x640, $0x38;
	[tilespmem:$0xDCC0] =	vst v63  }
0x1c: {  	_ =	swait.ge [sflag:s4], $0x640  }
0x1d: {  	[sflag:s4] =	ssyncset.done $0x0  }
0x1e: {  	s6 =	simm.s32 $0xD480;
	s16 =	rddreg [dreg:$0x5];
	[sflag:s4] =	ssyncadd.s32 $0xFFFFF9C0  }
0x1f: {  	[tilespmem:s6], [sflag:$0x2] =	stream.linear.gather [hbm4b:s16+s3], $0x40, $0x38;
	[tilespmem:$0xDCC0] =	vst v63  }
0x20: {  	_ =	swait.ge [sflag:s4], $0x40  }
0x21: {  	[sflag:s4] =	ssyncset.done $0x0  }
0x22: {  	s7 =	simm.s32 $0xD4C0;
	s17 =	rddreg [dreg:$0x6];
	[sflag:s4] =	ssyncadd.s32 $0xFFFFFFC0  }
0x23: {  	[tilespmem:s7], [sflag:$0x2] =	stream.linear.gather [hbm4b:s17+s3], $0x800, $0x38;
	[tilespmem:$0xDCC0] =	vst v63  }
0x24: {  	_ =	swait.ge [sflag:s4], $0x800  }
0x25: {  	s8 =	sadd.s32 $0xF43200, s8;
	[sflag:s4] =	ssyncset.done $0x0  }
0x26: {  	s10 =	simm.s32 $0xC80;
	s9 =	simm.s32 $0x1;
	[sflag:s4] =	ssyncadd.s32 $0xFFFFF800  }
0x27: {  	[tilespmem:s10], [sflag:$0x1] =	stream.indirect.gather [hbm4b:s8+s5], $0x20, s3, s5, $0xb8;
	[tilespmem:$0xDCC0] =	vst v63  }
0x28: {  	_ =	swait.ge [sflag:s9], $0xC800  }
0x29: {  	[sflag:s9] =	ssyncset.done $0x0  }
0x2a: {  	[sflag:s9] =	ssyncadd.s32 $0xFFFF3800  }
0x2b: {  	[hbm4b:s2+s5] =	stream.indirect.scatter [tilespmem:s10], [sflag:$0x1], $0x20, s5, s5, $0xb8;
	[tilespmem:$0xDCC0] =	vst v63  }
0x2c: {  	_ =	swait.ge [sflag:s9], $0xC800  }
0x2d: {  	[sflag:s9] =	ssyncset.done $0x0  }
0x2e: {  	s11 =	simm.s32 $0x40;
	[sflag:s9] =	ssyncadd.s32 $0xFFFF3800  }
0x2f: {  	[hbm4b:s2+s11] =	stream.indirect.scatter [tilespmem:s7], [sflag:$0x1], $0x20, s6, s11, $0xb8;
	[tilespmem:$0xDCC0] =	vst v63  }
0x30: {  	_ =	swait.ge [sflag:s9], $0x800  }
0x31: {  	[sflag:s9] =	ssyncset.done $0x0  }
0x32: {  	s13 =	rddreg [dreg:$0x7];
	[sflag:s9] =	ssyncadd.s32 $0xFFFFF800  }
0x33: {  	[tilespmem:s3], [sflag:$0x2] =	stream.linear.gather [hbm4b:s13+s3], $0x640, $0x38;
	[tilespmem:$0xDCC0] =	vst v63  }
0x34: {  	_ =	swait.ge [sflag:s4], $0x640  }
0x35: {  	[sflag:s4] =	ssyncset.done $0x0  }
0x36: {  	s18 =	rddreg [dreg:$0x8];
	[sflag:s4] =	ssyncadd.s32 $0xFFFFF9C0  }
0x37: {  	[tilespmem:s5], [sflag:$0x2] =	stream.linear.gather [hbm4b:s18+s3], $0x640, $0x38;
	[tilespmem:$0xDCC0] =	vst v63  }
0x38: {  	_ =	swait.ge [sflag:s4], $0x640  }
0x39: {  	[sflag:s4] =	ssyncset.done $0x0  }
0x3a: {  	s19 =	rddreg [dreg:$0x9];
	[sflag:s4] =	ssyncadd.s32 $0xFFFFF9C0  }
0x3b: {  	[tilespmem:s6], [sflag:$0x2] =	stream.linear.gather [hbm4b:s19+s3], $0x40, $0x38;
	[tilespmem:$0xDCC0] =	vst v63  }
0x3c: {  	_ =	swait.ge [sflag:s4], $0x40  }
0x3d: {  	[sflag:s4] =	ssyncset.done $0x0  }
0x3e: {  	s20 =	rddreg [dreg:$0xa];
	[sflag:s4] =	ssyncadd.s32 $0xFFFFFFC0  }
0x3f: {  	[tilespmem:s7], [sflag:$0x2] =	stream.linear.gather [hbm4b:s20+s3], $0x800, $0x38;
	[tilespmem:$0xDCC0] =	vst v63  }
0x40: {  	_ =	swait.ge [sflag:s4], $0x800  }
0x41: {  	[sflag:s4] =	ssyncset.done $0x0  }
0x42: {  	[sflag:s4] =	ssyncadd.s32 $0xFFFFF800  }
0x43: {  	[tilespmem:s10], [sflag:$0x1] =	stream.indirect.gather [hbm4b:s8+s5], $0x20, s3, s5, $0xb8;
	[tilespmem:$0xDCC0] =	vst v63  }
0x44: {  	_ =	swait.ge [sflag:s9], $0xC800  }
0x45: {  	[sflag:s9] =	ssyncset.done $0x0  }
0x46: {  	[sflag:s9] =	ssyncadd.s32 $0xFFFF3800  }
0x47: {  	[hbm4b:s2+s5] =	stream.indirect.scatter [tilespmem:s10], [sflag:$0x1], $0x20, s5, s5, $0xb8;
	[tilespmem:$0xDCC0] =	vst v63  }
0x48: {  	_ =	swait.ge [sflag:s9], $0xC800  }
0x49: {  	[sflag:s9] =	ssyncset.done $0x0  }
0x4a: {  	[sflag:s9] =	ssyncadd.s32 $0xFFFF3800  }
0x4b: {  	[hbm4b:s2+s11] =	stream.indirect.scatter [tilespmem:s7], [sflag:$0x1], $0x20, s6, s11, $0xb8;
	[tilespmem:$0xDCC0] =	vst v63  }
0x4c: {  	_ =	swait.ge [sflag:s9], $0x800  }
0x4d: {  	[sflag:s9] =	ssyncset.done $0x0  }
0x4e: {  	s21 =	rddreg [dreg:$0xb];
	[sflag:s9] =	ssyncadd.s32 $0xFFFFF800  }
0x4f: {  	[tilespmem:s3], [sflag:$0x2] =	stream.linear.gather [hbm4b:s21+s3], $0x640, $0x38;
	[tilespmem:$0xDCC0] =	vst v63  }
0x50: {  	_ =	swait.ge [sflag:s4], $0x640  }
0x51: {  	[sflag:s4] =	ssyncset.done $0x0  }
0x52: {  	s22 =	rddreg [dreg:$0xc];
	[sflag:s4] =	ssyncadd.s32 $0xFFFFF9C0  }
0x53: {  	[tilespmem:s5], [sflag:$0x2] =	stream.linear.gather [hbm4b:s22+s3], $0x640, $0x38;
	[tilespmem:$0xDCC0] =	vst v63  }
0x54: {  	_ =	swait.ge [sflag:s4], $0x640  }
0x55: {  	[sflag:s4] =	ssyncset.done $0x0  }
0x56: {  	s23 =	rddreg [dreg:$0xd];
	[sflag:s4] =	ssyncadd.s32 $0xFFFFF9C0  }
0x57: {  	[tilespmem:s6], [sflag:$0x2] =	stream.linear.gather [hbm4b:s23+s3], $0x40, $0x38;
	[tilespmem:$0xDCC0] =	vst v63  }
0x58: {  	_ =	swait.ge [sflag:s4], $0x40  }
0x59: {  	[sflag:s4] =	ssyncset.done $0x0  }
0x5a: {  	s24 =	rddreg [dreg:$0xe];
	[sflag:s4] =	ssyncadd.s32 $0xFFFFFFC0  }
0x5b: {  	[tilespmem:s7], [sflag:$0x2] =	stream.linear.gather [hbm4b:s24+s3], $0x800, $0x38;
	[tilespmem:$0xDCC0] =	vst v63  }
0x5c: {  	_ =	swait.ge [sflag:s4], $0x800  }
0x5d: {  	[sflag:s4] =	ssyncset.done $0x0  }
0x5e: {  	[sflag:s4] =	ssyncadd.s32 $0xFFFFF800  }
0x5f: {  	[tilespmem:s10], [sflag:$0x1] =	stream.indirect.gather [hbm4b:s8+s5], $0x20, s3, s5, $0xb8;
	[tilespmem:$0xDCC0] =	vst v63  }
0x60: {  	_ =	swait.ge [sflag:s9], $0xC800  }
0x61: {  	[sflag:s9] =	ssyncset.done $0x0  }
0x62: {  	[sflag:s9] =	ssyncadd.s32 $0xFFFF3800  }
0x63: {  	[hbm4b:s2+s5] =	stream.indirect.scatter [tilespmem:s10], [sflag:$0x1], $0x20, s5, s5, $0xb8;
	[tilespmem:$0xDCC0] =	vst v63  }
0x64: {  	_ =	swait.ge [sflag:s9], $0xC800  }
0x65: {  	[sflag:s9] =	ssyncset.done $0x0  }
0x66: {  	[sflag:s9] =	ssyncadd.s32 $0xFFFF3800  }
0x67: {  	[hbm4b:s2+s11] =	stream.indirect.scatter [tilespmem:s7], [sflag:$0x1], $0x20, s6, s11, $0xb8;
	[tilespmem:$0xDCC0] =	vst v63  }
0x68: {  	_ =	swait.ge [sflag:s9], $0x800  }
0x69: {  	[sflag:s9] =	ssyncset.done $0x0  }
0x6a: {  	s25 =	rddreg [dreg:$0xf];
	[sflag:s9] =	ssyncadd.s32 $0xFFFFF800  }
0x6b: {  	[tilespmem:s3], [sflag:$0x2] =	stream.linear.gather [hbm4b:s25+s3], $0x640, $0x38;
	[tilespmem:$0xDCC0] =	vst v63  }
0x6c: {  	_ =	swait.ge [sflag:s4], $0x640  }
0x6d: {  	[sflag:s4] =	ssyncset.done $0x0  }
0x6e: {  	s12 =	sadd.s32 s29, s12;
	[sflag:s4] =	ssyncadd.s32 $0xFFFFF9C0  }
0x6f: {  	[tilespmem:s5], [sflag:$0x2] =	stream.linear.gather [hbm4b:s12+s3], $0x640, $0x38;
	[tilespmem:$0xDCC0] =	vst v63  }
0x70: {  	_ =	swait.ge [sflag:s4], $0x640  }
0x71: {  	s26 =	sshrl.u32 s14, $0x3;
	[sflag:s4] =	ssyncset.done $0x0  }
0x72: {  	s13 =	sadd.s32 s30, s26;
	[sflag:s4] =	ssyncadd.s32 $0xFFFFF9C0  }
0x73: {  	[tilespmem:s6], [sflag:$0x2] =	stream.linear.gather [hbm4b:s13+s3], $0x40, $0x38;
	[tilespmem:$0xDCC0] =	vst v63  }
0x74: {  	_ =	swait.ge [sflag:s4], $0x40  }
0x75: {  	s14 =	sshll.u32 s14, $0x2;
	[sflag:s4] =	ssyncset.done $0x0  }
0x76: {  	s14 =	sadd.s32 s31, s14;
	[sflag:s4] =	ssyncadd.s32 $0xFFFFFFC0  }
0x77: {  	[tilespmem:s7], [sflag:$0x2] =	stream.linear.gather [hbm4b:s14+s3], $0x800, $0x38;
	[tilespmem:$0xDCC0] =	vst v63  }
0x78: {  	_ =	swait.ge [sflag:s4], $0x800  }
0x79: {  	[sflag:s4] =	ssyncset.done $0x0  }
0x7a: {  	[sflag:s4] =	ssyncadd.s32 $0xFFFFF800  }
0x7b: {  	[tilespmem:s10], [sflag:$0x1] =	stream.indirect.gather [hbm4b:s8+s5], $0x20, s3, s5, $0xb8;
	[tilespmem:$0xDCC0] =	vst v63  }
0x7c: {  	_ =	swait.ge [sflag:s9], $0xC800  }
0x7d: {  	[sflag:s9] =	ssyncset.done $0x0  }
0x7e: {  	[sflag:s9] =	ssyncadd.s32 $0xFFFF3800  }
0x7f: {  	[hbm4b:s2+s5] =	stream.indirect.scatter [tilespmem:s10], [sflag:$0x1], $0x20, s5, s5, $0xb8;
	[tilespmem:$0xDCC0] =	vst v63  }
0x80: {  	_ =	swait.ge [sflag:s9], $0xC800  }
0x81: {  	s18 =	sor.u32 $0x100, s0;
	[sflag:s9] =	ssyncset.done $0x0  }
0x82: {  	s15 =	smul.u32 $0x19, s18;
	[sflag:s9] =	ssyncadd.s32 $0xFFFF3800  }
0x83: {  	[hbm4b:s2+s11] =	stream.indirect.scatter [tilespmem:s7], [sflag:$0x1], $0x20, s6, s11, $0xb8;
	[tilespmem:$0xDCC0] =	vst v63  }
0x84: {  	_ =	swait.ge [sflag:s9], $0x800  }
0x85: {  	s16 =	sshrl.u32 s15, $0x3;
	[sflag:s9] =	ssyncset.done $0x0  }
0x86: {  	s15 =	sadd.s32 s28, s16;
	[sflag:s9] =	ssyncadd.s32 $0xFFFFF800  }
0x87: {  	[tilespmem:s3], [sflag:$0x2] =	stream.linear.gather [hbm4b:s15+s3], $0x640, $0x38;
	[tilespmem:$0xDCC0] =	vst v63  }
0x88: {  	_ =	swait.ge [sflag:s4], $0x640  }
0x89: {  	[sflag:s4] =	ssyncset.done $0x0  }
0x8a: {  	s16 =	sadd.s32 s29, s16;
	[sflag:s4] =	ssyncadd.s32 $0xFFFFF9C0  }
0x8b: {  	[tilespmem:s5], [sflag:$0x2] =	stream.linear.gather [hbm4b:s16+s3], $0x640, $0x38;
	[tilespmem:$0xDCC0] =	vst v63  }
0x8c: {  	_ =	swait.ge [sflag:s4], $0x640  }
0x8d: {  	s17 =	sshrl.u32 s18, $0x3;
	[sflag:s4] =	ssyncset.done $0x0  }
0x8e: {  	s17 =	sadd.s32 s30, s17;
	[sflag:s4] =	ssyncadd.s32 $0xFFFFF9C0  }
0x8f: {  	[tilespmem:s6], [sflag:$0x2] =	stream.linear.gather [hbm4b:s17+s3], $0x40, $0x38;
	[tilespmem:$0xDCC0] =	vst v63  }
0x90: {  	_ =	swait.ge [sflag:s4], $0x40  }
0x91: {  	s18 =	sshll.u32 s18, $0x2;
	[sflag:s4] =	ssyncset.done $0x0  }
0x92: {  	s18 =	sadd.s32 s31, s18;
	[sflag:s4] =	ssyncadd.s32 $0xFFFFFFC0  }
0x93: {  	[tilespmem:s7], [sflag:$0x2] =	stream.linear.gather [hbm4b:s18+s3], $0x800, $0x38;
	[tilespmem:$0xDCC0] =	vst v63  }
0x94: {  	_ =	swait.ge [sflag:s4], $0x800  }
0x95: {  	[sflag:s4] =	ssyncset.done $0x0  }
0x96: {  	[sflag:s4] =	ssyncadd.s32 $0xFFFFF800  }
0x97: {  	[tilespmem:s10], [sflag:$0x1] =	stream.indirect.gather [hbm4b:s8+s5], $0x20, s3, s5, $0xb8;
	[tilespmem:$0xDCC0] =	vst v63  }
0x98: {  	_ =	swait.ge [sflag:s9], $0xC800  }
0x99: {  	[sflag:s9] =	ssyncset.done $0x0  }
0x9a: {  	[sflag:s9] =	ssyncadd.s32 $0xFFFF3800  }
0x9b: {  	[hbm4b:s2+s5] =	stream.indirect.scatter [tilespmem:s10], [sflag:$0x1], $0x20, s5, s5, $0xb8;
	[tilespmem:$0xDCC0] =	vst v63  }
0x9c: {  	_ =	swait.ge [sflag:s9], $0xC800  }
0x9d: {  	s22 =	sor.u32 $0x140, s0;
	[sflag:s9] =	ssyncset.done $0x0  }
0x9e: {  	s19 =	smul.u32 $0x19, s22;
	[sflag:s9] =	ssyncadd.s32 $0xFFFF3800  }
0x9f: {  	[hbm4b:s2+s11] =	stream.indirect.scatter [tilespmem:s7], [sflag:$0x1], $0x20, s6, s11, $0xb8;
	[tilespmem:$0xDCC0] =	vst v63  }
0xa0: {  	_ =	swait.ge [sflag:s9], $0x800  }
0xa1: {  	s20 =	sshrl.u32 s19, $0x3;
	[sflag:s9] =	ssyncset.done $0x0  }
0xa2: {  	s19 =	sadd.s32 s28, s20;
	[sflag:s9] =	ssyncadd.s32 $0xFFFFF800  }
0xa3: {  	[tilespmem:s3], [sflag:$0x2] =	stream.linear.gather [hbm4b:s19+s3], $0x640, $0x38;
	[tilespmem:$0xDCC0] =	vst v63  }
0xa4: {  	_ =	swait.ge [sflag:s4], $0x640  }
0xa5: {  	[sflag:s4] =	ssyncset.done $0x0  }
0xa6: {  	s20 =	sadd.s32 s29, s20;
	[sflag:s4] =	ssyncadd.s32 $0xFFFFF9C0  }
0xa7: {  	[tilespmem:s5], [sflag:$0x2] =	stream.linear.gather [hbm4b:s20+s3], $0x640, $0x38;
	[tilespmem:$0xDCC0] =	vst v63  }
0xa8: {  	_ =	swait.ge [sflag:s4], $0x640  }
0xa9: {  	s21 =	sshrl.u32 s22, $0x3;
	[sflag:s4] =	ssyncset.done $0x0  }
0xaa: {  	s21 =	sadd.s32 s30, s21;
	[sflag:s4] =	ssyncadd.s32 $0xFFFFF9C0  }
0xab: {  	[tilespmem:s6], [sflag:$0x2] =	stream.linear.gather [hbm4b:s21+s3], $0x40, $0x38;
	[tilespmem:$0xDCC0] =	vst v63  }
0xac: {  	_ =	swait.ge [sflag:s4], $0x40  }
0xad: {  	s22 =	sshll.u32 s22, $0x2;
	[sflag:s4] =	ssyncset.done $0x0  }
0xae: {  	s22 =	sadd.s32 s31, s22;
	[sflag:s4] =	ssyncadd.s32 $0xFFFFFFC0  }
0xaf: {  	[tilespmem:s7], [sflag:$0x2] =	stream.linear.gather [hbm4b:s22+s3], $0x800, $0x38;
	[tilespmem:$0xDCC0] =	vst v63  }
0xb0: {  	_ =	swait.ge [sflag:s4], $0x800  }
0xb1: {  	[sflag:s4] =	ssyncset.done $0x0  }
0xb2: {  	[sflag:s4] =	ssyncadd.s32 $0xFFFFF800  }
0xb3: {  	[tilespmem:s10], [sflag:$0x1] =	stream.indirect.gather [hbm4b:s8+s5], $0x20, s3, s5, $0xb8;
	[tilespmem:$0xDCC0] =	vst v63  }
0xb4: {  	_ =	swait.ge [sflag:s9], $0xC800  }
0xb5: {  	[sflag:s9] =	ssyncset.done $0x0  }
0xb6: {  	[sflag:s9] =	ssyncadd.s32 $0xFFFF3800  }
0xb7: {  	[hbm4b:s2+s5] =	stream.indirect.scatter [tilespmem:s10], [sflag:$0x1], $0x20, s5, s5, $0xb8;
	[tilespmem:$0xDCC0] =	vst v63  }
0xb8: {  	_ =	swait.ge [sflag:s9], $0xC800  }
0xb9: {  	s26 =	sor.u32 $0x180, s0;
	[sflag:s9] =	ssyncset.done $0x0  }
0xba: {  	s23 =	smul.u32 $0x19, s26;
	[sflag:s9] =	ssyncadd.s32 $0xFFFF3800  }
0xbb: {  	[hbm4b:s2+s11] =	stream.indirect.scatter [tilespmem:s7], [sflag:$0x1], $0x20, s6, s11, $0xb8;
	[tilespmem:$0xDCC0] =	vst v63  }
0xbc: {  	_ =	swait.ge [sflag:s9], $0x800  }
0xbd: {  	s24 =	sshrl.u32 s23, $0x3;
	[sflag:s9] =	ssyncset.done $0x0  }
0xbe: {  	s23 =	sadd.s32 s28, s24;
	[sflag:s9] =	ssyncadd.s32 $0xFFFFF800  }
0xbf: {  	[tilespmem:s3], [sflag:$0x2] =	stream.linear.gather [hbm4b:s23+s3], $0x640, $0x38;
	[tilespmem:$0xDCC0] =	vst v63  }
0xc0: {  	_ =	swait.ge [sflag:s4], $0x640  }
0xc1: {  	[sflag:s4] =	ssyncset.done $0x0  }
0xc2: {  	s24 =	sadd.s32 s29, s24;
	[sflag:s4] =	ssyncadd.s32 $0xFFFFF9C0  }
0xc3: {  	[tilespmem:s5], [sflag:$0x2] =	stream.linear.gather [hbm4b:s24+s3], $0x640, $0x38;
	[tilespmem:$0xDCC0] =	vst v63  }
0xc4: {  	_ =	swait.ge [sflag:s4], $0x640  }
0xc5: {  	s25 =	sshrl.u32 s26, $0x3;
	[sflag:s4] =	ssyncset.done $0x0  }
0xc6: {  	s25 =	sadd.s32 s30, s25;
	[sflag:s4] =	ssyncadd.s32 $0xFFFFF9C0  }
0xc7: {  	[tilespmem:s6], [sflag:$0x2] =	stream.linear.gather [hbm4b:s25+s3], $0x40, $0x38;
	[tilespmem:$0xDCC0] =	vst v63  }
0xc8: {  	_ =	swait.ge [sflag:s4], $0x40  }
0xc9: {  	s26 =	sshll.u32 s26, $0x2;
	[sflag:s4] =	ssyncset.done $0x0  }
0xca: {  	s26 =	sadd.s32 s31, s26;
	[sflag:s4] =	ssyncadd.s32 $0xFFFFFFC0  }
0xcb: {  	[tilespmem:s7], [sflag:$0x2] =	stream.linear.gather [hbm4b:s26+s3], $0x800, $0x38;
	[tilespmem:$0xDCC0] =	vst v63  }
0xcc: {  	_ =	swait.ge [sflag:s4], $0x800  }
0xcd: {  	[sflag:s4] =	ssyncset.done $0x0  }
0xce: {  	[sflag:s4] =	ssyncadd.s32 $0xFFFFF800  }
0xcf: {  	[tilespmem:s10], [sflag:$0x1] =	stream.indirect.gather [hbm4b:s8+s5], $0x20, s3, s5, $0xb8;
	[tilespmem:$0xDCC0] =	vst v63  }
0xd0: {  	_ =	swait.ge [sflag:s9], $0xC800  }
0xd1: {  	[sflag:s9] =	ssyncset.done $0x0  }
0xd2: {  	[sflag:s9] =	ssyncadd.s32 $0xFFFF3800  }
0xd3: {  	[hbm4b:s2+s5] =	stream.indirect.scatter [tilespmem:s10], [sflag:$0x1], $0x20, s5, s5, $0xb8;
	[tilespmem:$0xDCC0] =	vst v63  }
0xd4: {  	_ =	swait.ge [sflag:s9], $0xC800  }
0xd5: {  	s0 =	sor.u32 $0x1C0, s0;
	[sflag:s9] =	ssyncset.done $0x0  }
0xd6: {  	s1 =	smul.u32 $0x19, s0;
	[sflag:s9] =	ssyncadd.s32 $0xFFFF3800  }
0xd7: {  	[hbm4b:s2+s11] =	stream.indirect.scatter [tilespmem:s7], [sflag:$0x1], $0x20, s6, s11, $0xb8;
	[tilespmem:$0xDCC0] =	vst v63  }
0xd8: {  	_ =	swait.ge [sflag:s9], $0x800  }
0xd9: {  	s1 =	sshrl.u32 s1, $0x3;
	[sflag:s9] =	ssyncset.done $0x0  }
0xda: {  	s28 =	sadd.s32 s28, s1;
	[sflag:s9] =	ssyncadd.s32 $0xFFFFF800  }
0xdb: {  	[tilespmem:s3], [sflag:$0x2] =	stream.linear.gather [hbm4b:s28+s3], $0x640, $0x38;
	[tilespmem:$0xDCC0] =	vst v63  }
0xdc: {  	_ =	swait.ge [sflag:s4], $0x640  }
0xdd: {  	[sflag:s4] =	ssyncset.done $0x0  }
0xde: {  	s29 =	sadd.s32 s29, s1;
	[sflag:s4] =	ssyncadd.s32 $0xFFFFF9C0  }
0xdf: {  	[tilespmem:s5], [sflag:$0x2] =	stream.linear.gather [hbm4b:s29+s3], $0x640, $0x38;
	[tilespmem:$0xDCC0] =	vst v63  }
0xe0: {  	_ =	swait.ge [sflag:s4], $0x640  }
0xe1: {  	s1 =	sshrl.u32 s0, $0x3;
	[sflag:s4] =	ssyncset.done $0x0  }
0xe2: {  	s30 =	sadd.s32 s30, s1;
	[sflag:s4] =	ssyncadd.s32 $0xFFFFF9C0  }
0xe3: {  	[tilespmem:s6], [sflag:$0x2] =	stream.linear.gather [hbm4b:s30+s3], $0x40, $0x38;
	[tilespmem:$0xDCC0] =	vst v63  }
0xe4: {  	_ =	swait.ge [sflag:s4], $0x40  }
0xe5: {  	s0 =	sshll.u32 s0, $0x2;
	[sflag:s4] =	ssyncset.done $0x0  }
0xe6: {  	s31 =	sadd.s32 s31, s0;
	[sflag:s4] =	ssyncadd.s32 $0xFFFFFFC0  }
0xe7: {  	[tilespmem:s7], [sflag:$0x2] =	stream.linear.gather [hbm4b:s31+s3], $0x800, $0x38;
	[tilespmem:$0xDCC0] =	vst v63  }
0xe8: {  	_ =	swait.ge [sflag:s4], $0x800  }
0xe9: {  	[sflag:s4] =	ssyncset.done $0x0  }
0xea: {  	[sflag:s4] =	ssyncadd.s32 $0xFFFFF800  }
0xeb: {  	[tilespmem:s10], [sflag:$0x1] =	stream.indirect.gather [hbm4b:s8+s5], $0x20, s3, s5, $0xb8;
	[tilespmem:$0xDCC0] =	vst v63  }
0xec: {  	_ =	swait.ge [sflag:s9], $0xC800  }
0xed: {  	[sflag:s9] =	ssyncset.done $0x0;
	s1 =	rddreg [dreg:$0x10]  }
0xee: {  	s0 =	ssub.s32 $0x2, s1;
	[sflag:s9] =	ssyncadd.s32 $0xFFFF3800  }
0xef: {  	[hbm4b:s2+s5] =	stream.indirect.scatter [tilespmem:s10], [sflag:$0x1], $0x20, s5, s5, $0xb8;
	[tilespmem:$0xDCC0] =	vst v63  }
0xf0: {  	s1 =	sshrl.u32 s0, $0x1  }
0xf1: {  	s0 =	ssub.s32 s0, s1  }
0xf2: {  	s0 =	smax.u32 s0, $0x1  }
0xf3: {  	p0 =	sne.s32 s0, $0x1  }
.Ltmp0:
0xf4: {  	_ =	swait.ge [sflag:s9], $0xC800;
	(pc) =	sbr.rel @!p0 .LBB2_2-.Ltmp0, $4  }
0xf5: {  	[sflag:s9] =	ssyncset.done $0x0  }
0xf6: {  	[sflag:s9] =	ssyncadd.s32 $0xFFFF3800  }
0xf7: {  	[hbm4b:s2+s11] =	stream.indirect.scatter [tilespmem:s7], [sflag:$0x1], $0x20, s6, s11, $0xb8;
	[tilespmem:$0xDCC0] =	vst v63  }
0xf8: {  	s1 =	sadd.s32 $0xFFFFFFFF, s0;
	_ =	swait.ge [sflag:s9], $0x800  }
.LBB2_1:
0xf9: {  	[sflag:s9] =	ssyncset.done $0x0  }
0xfa: {  	s0 =	rddreg [dreg:$0x3];
	[sflag:s9] =	ssyncadd.s32 $0xFFFFF800  }
0xfb: {  	[tilespmem:s3], [sflag:$0x2] =	stream.linear.gather [hbm4b:s0+s3], $0x640, $0x38;
	[tilespmem:$0xDCC0] =	vst v63  }
0xfc: {  	_ =	swait.ge [sflag:s4], $0x640  }
0xfd: {  	[sflag:s4] =	ssyncset.done $0x0  }
0xfe: {  	s0 =	rddreg [dreg:$0x4];
	[sflag:s4] =	ssyncadd.s32 $0xFFFFF9C0  }
0xff: {  	[tilespmem:s5], [sflag:$0x2] =	stream.linear.gather [hbm4b:s0+s3], $0x640, $0x38;
	[tilespmem:$0xDCC0] =	vst v63  }
0x100: {  	_ =	swait.ge [sflag:s4], $0x640  }
0x101: {  	[sflag:s4] =	ssyncset.done $0x0  }
0x102: {  	s0 =	rddreg [dreg:$0x5];
	[sflag:s4] =	ssyncadd.s32 $0xFFFFF9C0  }
0x103: {  	[tilespmem:s6], [sflag:$0x2] =	stream.linear.gather [hbm4b:s0+s3], $0x40, $0x38;
	[tilespmem:$0xDCC0] =	vst v63  }
0x104: {  	_ =	swait.ge [sflag:s4], $0x40  }
0x105: {  	[sflag:s4] =	ssyncset.done $0x0  }
0x106: {  	s0 =	rddreg [dreg:$0x6];
	[sflag:s4] =	ssyncadd.s32 $0xFFFFFFC0  }
0x107: {  	[tilespmem:s7], [sflag:$0x2] =	stream.linear.gather [hbm4b:s0+s3], $0x800, $0x38;
	[tilespmem:$0xDCC0] =	vst v63  }
0x108: {  	_ =	swait.ge [sflag:s4], $0x800  }
0x109: {  	[sflag:s4] =	ssyncset.done $0x0  }
0x10a: {  	[sflag:s4] =	ssyncadd.s32 $0xFFFFF800  }
0x10b: {  	[tilespmem:s10], [sflag:$0x1] =	stream.indirect.gather [hbm4b:s8+s5], $0x20, s3, s5, $0xb8;
	[tilespmem:$0xDCC0] =	vst v63  }
0x10c: {  	_ =	swait.ge [sflag:s9], $0xC800  }
0x10d: {  	[sflag:s9] =	ssyncset.done $0x0  }
0x10e: {  	[sflag:s9] =	ssyncadd.s32 $0xFFFF3800  }
0x10f: {  	[hbm4b:s2+s5] =	stream.indirect.scatter [tilespmem:s10], [sflag:$0x1], $0x20, s5, s5, $0xb8;
	[tilespmem:$0xDCC0] =	vst v63  }
0x110: {  	_ =	swait.ge [sflag:s9], $0xC800  }
0x111: {  	[sflag:s9] =	ssyncset.done $0x0  }
0x112: {  	[sflag:s9] =	ssyncadd.s32 $0xFFFF3800  }
0x113: {  	[hbm4b:s2+s11] =	stream.indirect.scatter [tilespmem:s7], [sflag:$0x1], $0x20, s6, s11, $0xb8;
	[tilespmem:$0xDCC0] =	vst v63  }
0x114: {  	_ =	swait.ge [sflag:s9], $0x800  }
0x115: {  	[sflag:s9] =	ssyncset.done $0x0  }
0x116: {  	s0 =	rddreg [dreg:$0x7];
	[sflag:s9] =	ssyncadd.s32 $0xFFFFF800  }
0x117: {  	[tilespmem:s3], [sflag:$0x2] =	stream.linear.gather [hbm4b:s0+s3], $0x640, $0x38;
	[tilespmem:$0xDCC0] =	vst v63  }
0x118: {  	_ =	swait.ge [sflag:s4], $0x640  }
0x119: {  	[sflag:s4] =	ssyncset.done $0x0  }
0x11a: {  	s0 =	rddreg [dreg:$0x8];
	[sflag:s4] =	ssyncadd.s32 $0xFFFFF9C0  }
0x11b: {  	[tilespmem:s5], [sflag:$0x2] =	stream.linear.gather [hbm4b:s0+s3], $0x640, $0x38;
	[tilespmem:$0xDCC0] =	vst v63  }
0x11c: {  	_ =	swait.ge [sflag:s4], $0x640  }
0x11d: {  	[sflag:s4] =	ssyncset.done $0x0  }
0x11e: {  	s0 =	rddreg [dreg:$0x9];
	[sflag:s4] =	ssyncadd.s32 $0xFFFFF9C0  }
0x11f: {  	[tilespmem:s6], [sflag:$0x2] =	stream.linear.gather [hbm4b:s0+s3], $0x40, $0x38;
	[tilespmem:$0xDCC0] =	vst v63  }
0x120: {  	_ =	swait.ge [sflag:s4], $0x40  }
0x121: {  	[sflag:s4] =	ssyncset.done $0x0  }
0x122: {  	s0 =	rddreg [dreg:$0xa];
	[sflag:s4] =	ssyncadd.s32 $0xFFFFFFC0  }
0x123: {  	[tilespmem:s7], [sflag:$0x2] =	stream.linear.gather [hbm4b:s0+s3], $0x800, $0x38;
	[tilespmem:$0xDCC0] =	vst v63  }
0x124: {  	_ =	swait.ge [sflag:s4], $0x800  }
0x125: {  	[sflag:s4] =	ssyncset.done $0x0  }
0x126: {  	[sflag:s4] =	ssyncadd.s32 $0xFFFFF800  }
0x127: {  	[tilespmem:s10], [sflag:$0x1] =	stream.indirect.gather [hbm4b:s8+s5], $0x20, s3, s5, $0xb8;
	[tilespmem:$0xDCC0] =	vst v63  }
0x128: {  	_ =	swait.ge [sflag:s9], $0xC800  }
0x129: {  	[sflag:s9] =	ssyncset.done $0x0  }
0x12a: {  	[sflag:s9] =	ssyncadd.s32 $0xFFFF3800  }
0x12b: {  	[hbm4b:s2+s5] =	stream.indirect.scatter [tilespmem:s10], [sflag:$0x1], $0x20, s5, s5, $0xb8;
	[tilespmem:$0xDCC0] =	vst v63  }
0x12c: {  	_ =	swait.ge [sflag:s9], $0xC800  }
0x12d: {  	[sflag:s9] =	ssyncset.done $0x0  }
0x12e: {  	[sflag:s9] =	ssyncadd.s32 $0xFFFF3800  }
0x12f: {  	[hbm4b:s2+s11] =	stream.indirect.scatter [tilespmem:s7], [sflag:$0x1], $0x20, s6, s11, $0xb8;
	[tilespmem:$0xDCC0] =	vst v63  }
0x130: {  	_ =	swait.ge [sflag:s9], $0x800  }
0x131: {  	[sflag:s9] =	ssyncset.done $0x0  }
0x132: {  	s0 =	rddreg [dreg:$0xb];
	[sflag:s9] =	ssyncadd.s32 $0xFFFFF800  }
0x133: {  	[tilespmem:s3], [sflag:$0x2] =	stream.linear.gather [hbm4b:s0+s3], $0x640, $0x38;
	[tilespmem:$0xDCC0] =	vst v63  }
0x134: {  	_ =	swait.ge [sflag:s4], $0x640  }
0x135: {  	[sflag:s4] =	ssyncset.done $0x0  }
0x136: {  	s0 =	rddreg [dreg:$0xc];
	[sflag:s4] =	ssyncadd.s32 $0xFFFFF9C0  }
0x137: {  	[tilespmem:s5], [sflag:$0x2] =	stream.linear.gather [hbm4b:s0+s3], $0x640, $0x38;
	[tilespmem:$0xDCC0] =	vst v63  }
0x138: {  	_ =	swait.ge [sflag:s4], $0x640  }
0x139: {  	[sflag:s4] =	ssyncset.done $0x0  }
0x13a: {  	s0 =	rddreg [dreg:$0xd];
	[sflag:s4] =	ssyncadd.s32 $0xFFFFF9C0  }
0x13b: {  	[tilespmem:s6], [sflag:$0x2] =	stream.linear.gather [hbm4b:s0+s3], $0x40, $0x38;
	[tilespmem:$0xDCC0] =	vst v63  }
0x13c: {  	_ =	swait.ge [sflag:s4], $0x40  }
0x13d: {  	[sflag:s4] =	ssyncset.done $0x0  }
0x13e: {  	s0 =	rddreg [dreg:$0xe];
	[sflag:s4] =	ssyncadd.s32 $0xFFFFFFC0  }
0x13f: {  	[tilespmem:s7], [sflag:$0x2] =	stream.linear.gather [hbm4b:s0+s3], $0x800, $0x38;
	[tilespmem:$0xDCC0] =	vst v63  }
0x140: {  	_ =	swait.ge [sflag:s4], $0x800  }
0x141: {  	[sflag:s4] =	ssyncset.done $0x0  }
0x142: {  	[sflag:s4] =	ssyncadd.s32 $0xFFFFF800  }
0x143: {  	[tilespmem:s10], [sflag:$0x1] =	stream.indirect.gather [hbm4b:s8+s5], $0x20, s3, s5, $0xb8;
	[tilespmem:$0xDCC0] =	vst v63  }
0x144: {  	_ =	swait.ge [sflag:s9], $0xC800  }
0x145: {  	[sflag:s9] =	ssyncset.done $0x0  }
0x146: {  	[sflag:s9] =	ssyncadd.s32 $0xFFFF3800  }
0x147: {  	[hbm4b:s2+s5] =	stream.indirect.scatter [tilespmem:s10], [sflag:$0x1], $0x20, s5, s5, $0xb8;
	[tilespmem:$0xDCC0] =	vst v63  }
0x148: {  	_ =	swait.ge [sflag:s9], $0xC800  }
0x149: {  	[sflag:s9] =	ssyncset.done $0x0  }
0x14a: {  	[sflag:s9] =	ssyncadd.s32 $0xFFFF3800  }
0x14b: {  	[hbm4b:s2+s11] =	stream.indirect.scatter [tilespmem:s7], [sflag:$0x1], $0x20, s6, s11, $0xb8;
	[tilespmem:$0xDCC0] =	vst v63  }
0x14c: {  	_ =	swait.ge [sflag:s9], $0x800  }
0x14d: {  	[sflag:s9] =	ssyncset.done $0x0  }
0x14e: {  	s0 =	rddreg [dreg:$0xf];
	[sflag:s9] =	ssyncadd.s32 $0xFFFFF800  }
0x14f: {  	[tilespmem:s3], [sflag:$0x2] =	stream.linear.gather [hbm4b:s0+s3], $0x640, $0x38;
	[tilespmem:$0xDCC0] =	vst v63  }
0x150: {  	_ =	swait.ge [sflag:s4], $0x640  }
0x151: {  	[sflag:s4] =	ssyncset.done $0x0  }
0x152: {  	[sflag:s4] =	ssyncadd.s32 $0xFFFFF9C0  }
0x153: {  	[tilespmem:s5], [sflag:$0x2] =	stream.linear.gather [hbm4b:s12+s3], $0x640, $0x38;
	[tilespmem:$0xDCC0] =	vst v63  }
0x154: {  	_ =	swait.ge [sflag:s4], $0x640  }
0x155: {  	[sflag:s4] =	ssyncset.done $0x0  }
0x156: {  	[sflag:s4] =	ssyncadd.s32 $0xFFFFF9C0  }
0x157: {  	[tilespmem:s6], [sflag:$0x2] =	stream.linear.gather [hbm4b:s13+s3], $0x40, $0x38;
	[tilespmem:$0xDCC0] =	vst v63  }
0x158: {  	_ =	swait.ge [sflag:s4], $0x40  }
0x159: {  	[sflag:s4] =	ssyncset.done $0x0  }
0x15a: {  	[sflag:s4] =	ssyncadd.s32 $0xFFFFFFC0  }
0x15b: {  	[tilespmem:s7], [sflag:$0x2] =	stream.linear.gather [hbm4b:s14+s3], $0x800, $0x38;
	[tilespmem:$0xDCC0] =	vst v63  }
0x15c: {  	_ =	swait.ge [sflag:s4], $0x800  }
0x15d: {  	[sflag:s4] =	ssyncset.done $0x0  }
0x15e: {  	[sflag:s4] =	ssyncadd.s32 $0xFFFFF800  }
0x15f: {  	[tilespmem:s10], [sflag:$0x1] =	stream.indirect.gather [hbm4b:s8+s5], $0x20, s3, s5, $0xb8;
	[tilespmem:$0xDCC0] =	vst v63  }
0x160: {  	_ =	swait.ge [sflag:s9], $0xC800  }
0x161: {  	[sflag:s9] =	ssyncset.done $0x0  }
0x162: {  	[sflag:s9] =	ssyncadd.s32 $0xFFFF3800  }
0x163: {  	[hbm4b:s2+s5] =	stream.indirect.scatter [tilespmem:s10], [sflag:$0x1], $0x20, s5, s5, $0xb8;
	[tilespmem:$0xDCC0] =	vst v63  }
0x164: {  	_ =	swait.ge [sflag:s9], $0xC800  }
0x165: {  	[sflag:s9] =	ssyncset.done $0x0  }
0x166: {  	[sflag:s9] =	ssyncadd.s32 $0xFFFF3800  }
0x167: {  	[hbm4b:s2+s11] =	stream.indirect.scatter [tilespmem:s7], [sflag:$0x1], $0x20, s6, s11, $0xb8;
	[tilespmem:$0xDCC0] =	vst v63  }
0x168: {  	_ =	swait.ge [sflag:s9], $0x800  }
0x169: {  	[sflag:s9] =	ssyncset.done $0x0  }
0x16a: {  	[sflag:s9] =	ssyncadd.s32 $0xFFFFF800  }
0x16b: {  	[tilespmem:s3], [sflag:$0x2] =	stream.linear.gather [hbm4b:s15+s3], $0x640, $0x38;
	[tilespmem:$0xDCC0] =	vst v63  }
0x16c: {  	_ =	swait.ge [sflag:s4], $0x640  }
0x16d: {  	[sflag:s4] =	ssyncset.done $0x0  }
0x16e: {  	[sflag:s4] =	ssyncadd.s32 $0xFFFFF9C0  }
0x16f: {  	[tilespmem:s5], [sflag:$0x2] =	stream.linear.gather [hbm4b:s16+s3], $0x640, $0x38;
	[tilespmem:$0xDCC0] =	vst v63  }
0x170: {  	_ =	swait.ge [sflag:s4], $0x640  }
0x171: {  	[sflag:s4] =	ssyncset.done $0x0  }
0x172: {  	[sflag:s4] =	ssyncadd.s32 $0xFFFFF9C0  }
0x173: {  	[tilespmem:s6], [sflag:$0x2] =	stream.linear.gather [hbm4b:s17+s3], $0x40, $0x38;
	[tilespmem:$0xDCC0] =	vst v63  }
0x174: {  	_ =	swait.ge [sflag:s4], $0x40  }
0x175: {  	[sflag:s4] =	ssyncset.done $0x0  }
0x176: {  	[sflag:s4] =	ssyncadd.s32 $0xFFFFFFC0  }
0x177: {  	[tilespmem:s7], [sflag:$0x2] =	stream.linear.gather [hbm4b:s18+s3], $0x800, $0x38;
	[tilespmem:$0xDCC0] =	vst v63  }
0x178: {  	_ =	swait.ge [sflag:s4], $0x800  }
0x179: {  	[sflag:s4] =	ssyncset.done $0x0  }
0x17a: {  	[sflag:s4] =	ssyncadd.s32 $0xFFFFF800  }
0x17b: {  	[tilespmem:s10], [sflag:$0x1] =	stream.indirect.gather [hbm4b:s8+s5], $0x20, s3, s5, $0xb8;
	[tilespmem:$0xDCC0] =	vst v63  }
0x17c: {  	_ =	swait.ge [sflag:s9], $0xC800  }
0x17d: {  	[sflag:s9] =	ssyncset.done $0x0  }
0x17e: {  	[sflag:s9] =	ssyncadd.s32 $0xFFFF3800  }
0x17f: {  	[hbm4b:s2+s5] =	stream.indirect.scatter [tilespmem:s10], [sflag:$0x1], $0x20, s5, s5, $0xb8;
	[tilespmem:$0xDCC0] =	vst v63  }
0x180: {  	_ =	swait.ge [sflag:s9], $0xC800  }
0x181: {  	[sflag:s9] =	ssyncset.done $0x0  }
0x182: {  	[sflag:s9] =	ssyncadd.s32 $0xFFFF3800  }
0x183: {  	[hbm4b:s2+s11] =	stream.indirect.scatter [tilespmem:s7], [sflag:$0x1], $0x20, s6, s11, $0xb8;
	[tilespmem:$0xDCC0] =	vst v63  }
0x184: {  	_ =	swait.ge [sflag:s9], $0x800  }
0x185: {  	[sflag:s9] =	ssyncset.done $0x0  }
0x186: {  	[sflag:s9] =	ssyncadd.s32 $0xFFFFF800  }
0x187: {  	[tilespmem:s3], [sflag:$0x2] =	stream.linear.gather [hbm4b:s19+s3], $0x640, $0x38;
	[tilespmem:$0xDCC0] =	vst v63  }
0x188: {  	_ =	swait.ge [sflag:s4], $0x640  }
0x189: {  	[sflag:s4] =	ssyncset.done $0x0  }
0x18a: {  	[sflag:s4] =	ssyncadd.s32 $0xFFFFF9C0  }
0x18b: {  	[tilespmem:s5], [sflag:$0x2] =	stream.linear.gather [hbm4b:s20+s3], $0x640, $0x38;
	[tilespmem:$0xDCC0] =	vst v63  }
0x18c: {  	_ =	swait.ge [sflag:s4], $0x640  }
0x18d: {  	[sflag:s4] =	ssyncset.done $0x0  }
0x18e: {  	[sflag:s4] =	ssyncadd.s32 $0xFFFFF9C0  }
0x18f: {  	[tilespmem:s6], [sflag:$0x2] =	stream.linear.gather [hbm4b:s21+s3], $0x40, $0x38;
	[tilespmem:$0xDCC0] =	vst v63  }
0x190: {  	_ =	swait.ge [sflag:s4], $0x40  }
0x191: {  	[sflag:s4] =	ssyncset.done $0x0  }
0x192: {  	[sflag:s4] =	ssyncadd.s32 $0xFFFFFFC0  }
0x193: {  	[tilespmem:s7], [sflag:$0x2] =	stream.linear.gather [hbm4b:s22+s3], $0x800, $0x38;
	[tilespmem:$0xDCC0] =	vst v63  }
0x194: {  	_ =	swait.ge [sflag:s4], $0x800  }
0x195: {  	[sflag:s4] =	ssyncset.done $0x0  }
0x196: {  	[sflag:s4] =	ssyncadd.s32 $0xFFFFF800  }
0x197: {  	[tilespmem:s10], [sflag:$0x1] =	stream.indirect.gather [hbm4b:s8+s5], $0x20, s3, s5, $0xb8;
	[tilespmem:$0xDCC0] =	vst v63  }
0x198: {  	_ =	swait.ge [sflag:s9], $0xC800  }
0x199: {  	[sflag:s9] =	ssyncset.done $0x0  }
0x19a: {  	[sflag:s9] =	ssyncadd.s32 $0xFFFF3800  }
0x19b: {  	[hbm4b:s2+s5] =	stream.indirect.scatter [tilespmem:s10], [sflag:$0x1], $0x20, s5, s5, $0xb8;
	[tilespmem:$0xDCC0] =	vst v63  }
0x19c: {  	_ =	swait.ge [sflag:s9], $0xC800  }
0x19d: {  	[sflag:s9] =	ssyncset.done $0x0  }
0x19e: {  	[sflag:s9] =	ssyncadd.s32 $0xFFFF3800  }
0x19f: {  	[hbm4b:s2+s11] =	stream.indirect.scatter [tilespmem:s7], [sflag:$0x1], $0x20, s6, s11, $0xb8;
	[tilespmem:$0xDCC0] =	vst v63  }
0x1a0: {  	_ =	swait.ge [sflag:s9], $0x800  }
0x1a1: {  	[sflag:s9] =	ssyncset.done $0x0  }
0x1a2: {  	[sflag:s9] =	ssyncadd.s32 $0xFFFFF800  }
0x1a3: {  	[tilespmem:s3], [sflag:$0x2] =	stream.linear.gather [hbm4b:s23+s3], $0x640, $0x38;
	[tilespmem:$0xDCC0] =	vst v63  }
0x1a4: {  	_ =	swait.ge [sflag:s4], $0x640  }
0x1a5: {  	[sflag:s4] =	ssyncset.done $0x0  }
0x1a6: {  	[sflag:s4] =	ssyncadd.s32 $0xFFFFF9C0  }
0x1a7: {  	[tilespmem:s5], [sflag:$0x2] =	stream.linear.gather [hbm4b:s24+s3], $0x640, $0x38;
	[tilespmem:$0xDCC0] =	vst v63  }
0x1a8: {  	_ =	swait.ge [sflag:s4], $0x640  }
0x1a9: {  	[sflag:s4] =	ssyncset.done $0x0  }
0x1aa: {  	[sflag:s4] =	ssyncadd.s32 $0xFFFFF9C0  }
0x1ab: {  	[tilespmem:s6], [sflag:$0x2] =	stream.linear.gather [hbm4b:s25+s3], $0x40, $0x38;
	[tilespmem:$0xDCC0] =	vst v63  }
0x1ac: {  	_ =	swait.ge [sflag:s4], $0x40  }
0x1ad: {  	[sflag:s4] =	ssyncset.done $0x0  }
0x1ae: {  	[sflag:s4] =	ssyncadd.s32 $0xFFFFFFC0  }
0x1af: {  	[tilespmem:s7], [sflag:$0x2] =	stream.linear.gather [hbm4b:s26+s3], $0x800, $0x38;
	[tilespmem:$0xDCC0] =	vst v63  }
0x1b0: {  	_ =	swait.ge [sflag:s4], $0x800  }
0x1b1: {  	[sflag:s4] =	ssyncset.done $0x0  }
0x1b2: {  	[sflag:s4] =	ssyncadd.s32 $0xFFFFF800  }
0x1b3: {  	[tilespmem:s10], [sflag:$0x1] =	stream.indirect.gather [hbm4b:s8+s5], $0x20, s3, s5, $0xb8;
	[tilespmem:$0xDCC0] =	vst v63  }
0x1b4: {  	_ =	swait.ge [sflag:s9], $0xC800  }
0x1b5: {  	[sflag:s9] =	ssyncset.done $0x0  }
0x1b6: {  	[sflag:s9] =	ssyncadd.s32 $0xFFFF3800  }
0x1b7: {  	[hbm4b:s2+s5] =	stream.indirect.scatter [tilespmem:s10], [sflag:$0x1], $0x20, s5, s5, $0xb8;
	[tilespmem:$0xDCC0] =	vst v63  }
0x1b8: {  	_ =	swait.ge [sflag:s9], $0xC800  }
0x1b9: {  	[sflag:s9] =	ssyncset.done $0x0  }
0x1ba: {  	[sflag:s9] =	ssyncadd.s32 $0xFFFF3800  }
0x1bb: {  	[hbm4b:s2+s11] =	stream.indirect.scatter [tilespmem:s7], [sflag:$0x1], $0x20, s6, s11, $0xb8;
	[tilespmem:$0xDCC0] =	vst v63  }
0x1bc: {  	_ =	swait.ge [sflag:s9], $0x800  }
0x1bd: {  	[sflag:s9] =	ssyncset.done $0x0  }
0x1be: {  	[sflag:s9] =	ssyncadd.s32 $0xFFFFF800  }
0x1bf: {  	[tilespmem:s3], [sflag:$0x2] =	stream.linear.gather [hbm4b:s28+s3], $0x640, $0x38;
	[tilespmem:$0xDCC0] =	vst v63  }
0x1c0: {  	_ =	swait.ge [sflag:s4], $0x640  }
0x1c1: {  	[sflag:s4] =	ssyncset.done $0x0  }
0x1c2: {  	[sflag:s4] =	ssyncadd.s32 $0xFFFFF9C0  }
0x1c3: {  	[tilespmem:s5], [sflag:$0x2] =	stream.linear.gather [hbm4b:s29+s3], $0x640, $0x38;
	[tilespmem:$0xDCC0] =	vst v63  }
0x1c4: {  	_ =	swait.ge [sflag:s4], $0x640  }
0x1c5: {  	[sflag:s4] =	ssyncset.done $0x0  }
0x1c6: {  	[sflag:s4] =	ssyncadd.s32 $0xFFFFF9C0  }
0x1c7: {  	[tilespmem:s6], [sflag:$0x2] =	stream.linear.gather [hbm4b:s30+s3], $0x40, $0x38;
	[tilespmem:$0xDCC0] =	vst v63  }
0x1c8: {  	_ =	swait.ge [sflag:s4], $0x40  }
0x1c9: {  	[sflag:s4] =	ssyncset.done $0x0  }
0x1ca: {  	[sflag:s4] =	ssyncadd.s32 $0xFFFFFFC0  }
0x1cb: {  	[tilespmem:s7], [sflag:$0x2] =	stream.linear.gather [hbm4b:s31+s3], $0x800, $0x38;
	[tilespmem:$0xDCC0] =	vst v63  }
0x1cc: {  	_ =	swait.ge [sflag:s4], $0x800  }
0x1cd: {  	[sflag:s4] =	ssyncset.done $0x0  }
0x1ce: {  	[sflag:s4] =	ssyncadd.s32 $0xFFFFF800  }
0x1cf: {  	[tilespmem:s10], [sflag:$0x1] =	stream.indirect.gather [hbm4b:s8+s5], $0x20, s3, s5, $0xb8;
	[tilespmem:$0xDCC0] =	vst v63  }
0x1d0: {  	_ =	swait.ge [sflag:s9], $0xC800  }
0x1d1: {  	[sflag:s9] =	ssyncset.done $0x0  }
0x1d2: {  	p0 =	sne.s32 s1, $0x1;
	[sflag:s9] =	ssyncadd.s32 $0xFFFF3800  }
0x1d3: {  	[hbm4b:s2+s5] =	stream.indirect.scatter [tilespmem:s10], [sflag:$0x1], $0x20, s5, s5, $0xb8;
	[tilespmem:$0xDCC0] =	vst v63  }
.Ltmp1:
0x1d4: {  	_ =	swait.ge [sflag:s9], $0xC800;
	(pc) =	sbr.rel @p0 .LBB2_1-.Ltmp1, $4  }
0x1d5: {  	[sflag:s9] =	ssyncset.done $0x0  }
0x1d6: {  	[sflag:s9] =	ssyncadd.s32 $0xFFFF3800  }
0x1d7: {  	[hbm4b:s2+s11] =	stream.indirect.scatter [tilespmem:s7], [sflag:$0x1], $0x20, s6, s11, $0xb8;
	[tilespmem:$0xDCC0] =	vst v63  }
0x1d8: {  	s1 =	sadd.s32 $0xFFFFFFFF, s1;
	_ =	swait.ge [sflag:s9], $0x800  }
.LBB2_2:
0x1d9: {  	[sflag:s9] =	ssyncset.done $0x0  }
0x1da: {  	[sflag:s9] =	ssyncadd.s32 $0xFFFFF800  }
0x1db: {  	_ =	sfence.sel $0x180000  }
0x1dc: {  	[bflag:$0x0] =	sbarrier.arrive $0xFFFF  }
0x1dd: {  	_ =	strace $0x90000047  }
0x1de: {  	s0 =	stileid.u32;
	[bflag:$0x2] =	sbarrier.arrive $0xFFFF  }
0x1df: {  	p0 =	sne.s32 s0, $0x0;
	s0 =	rddreg [dreg:$0x2]  }
0x1e0: {  	s0 =	sadd.s32 @!p0 $0x100000, s0  }
0x1e1: {  	[sflag:s0] =	ssyncadd.tile.s32 @!p0 $0x1;
	_ =	shalt  }
.Lfunc_end2:
_tile_overlayer_lowered:
.L_overlay_start_2:
0x1e2: {  	(tag) =	ssettag $0x2  }
0x1e3: {  	s0 =	rddreg [dreg:$0x0];
	s2 =	stileid.u32  }
0x1e4: {  	s1 =	rddreg [dreg:$0x1];
	p0 =	sne.s32 s2, $0x0  }
0x1e5: {  	s3 =	rddreg [dreg:$0x2];
	[bflag:$0x3] =	sbarrier.arrive $0xFFFF;
	s2 =	simm.s32 @!p0 $0x1C02  }
0x1e6: {  	[timem:s3], [sflag:s2] =	dma.local @!p0 [hbm:s0], s1  }
0x1e7: {  	s0 =	simm.s32 @!p0 $0x2  }
0x1e8: {  	_ =	swait.ge @!p0 [sflag:s0], s1  }
0x1e9: {  	s1 =	ssub.s32 @!p0 $0x0, s1;
	[sflag:s0] =	ssyncset.done @!p0 $0x0  }
0x1ea: {  	[sflag:s0] =	ssyncadd.s32 @!p0 s1  }
0x1eb: {  	[bflag:$0x3] =	sbarrier.arrive $0xFFFF  }
0x1ec: {  	_ =	shalt  }

// kernel: sparse-core-data-format-call.cloned.1.call-start
scs
called_computation_lowered:
.L_overlay_start_0:
0x0: {  	s2 =	sld [smem:$0x3FD9]  }
0x1: {  	s3 =	sld [smem:$0x3FFE];
	_ =	sdelay $0x1  }
0x2: {  	s1 =	srdreg.scid  }
0x3: {  	s0 =	sand.u32 $0x1, s1  }
0x4: {  	s18 =	sshll.u32 s0, $0xA;
	s2 =	sadd.s32 s3, s2  }
0x5: {  	s2 =	sadd.s32 s2, s18  }
0x6: {  	[smem:$0x3FC6] =	sst s2  }
0x7: {  	_ = 	snop  }
0x8: {  	s2 =	sld [smem:$0x3FD0];
	(tm) =	ssettm $0x1  }
0x9: {  	s19 =	sld [smem:$0x3FFB];
	_ =	sdelay $0x3  }
0xa: {  	_ =	strace s19  }
0xb: {  	s3 =	sld [smem:$0x3FFC];
	_ =	sdelay $0x3  }
0xc: {  	_ =	strace s3  }
0xd: {  	s3 =	sld [smem:$0x3FFD];
	_ =	sdelay $0x3  }
0xe: {  	_ =	strace s3  }
0xf: {  	_ =	strace $0x8FFFFFFF  }
0x10: {  	s20 =	sld [smem:$0x3FDB];
	_ =	sdelay $0x1  }
0x11: {  	s4 =	simm.s32 $_scs_section_size  }
0x12: {  	s5 =	simm.s32 $_size__tile_overlayer_lowered;
	s6 =	simm.s32 $_tile_overlayer_lowered  }
0x13: {  	s23 =	simm.s32 $0x1BFF;
	s22 =	sshll.u32 s6, $0x1;
	s3 =	sadd.s32 s4, s20  }
0x14: {  	s7 =	simm.s32 $0x0;
	s21 =	sshll.u32 s5, $0x1;
	s5 =	sadd.s32 s22, s3  }
0x15: {  	[timem:s7], [sflag:s23] =	dma.local [hbm:s5], s21  }
0x16: {  	_ =	swait.ge [sflag:s23], s21  }
0x17: {  	s4 =	ssub.s32 $0x0, s21;
	[sflag:s23] =	ssyncset.done $0x0  }
0x18: {  	[sflag:s23] =	ssyncadd.s32 s4;
	_ =	sdelay $0x1  }
0x19: {  	s24 =	simm.s32 $0x1B8B  }
0x1a: {  	_ =	swait.ge [sflag:s24], $0x1  }
0x1b: {  	[sflag:s24] =	ssyncset.done $0x0  }
0x1c: {  	s26 =	simm.s32 $0x1B8E;
	s25 =	sld [smem:$0x3FFE];
	[sflag:s24] =	ssyncadd.s32 $0xFFFFFFFF  }
0x1d: {  	s27 =	simm.s32 $execute0_lowered;
	[smem:$0x3FD2] =	sst s26  }
0x1e: {  	s5 =	sshll.u32 s27, $0x1;
	_ =	strace $0x80000049;
	[dreg:$0x1] =	wrdreg $0xFFFFFFFF  }
0x1f: {  	s28 =	simm.s32 $_size_execute0_lowered;
	s3 =	sadd.s32 s3, s5;
	[dreg:$0x0] =	wrdreg $0x0  }
0x20: {  	s5 =	sshll.u32 s28, $0x1;
	[dreg:$0x2] =	wrdreg s3  }
0x21: {  	[dreg:$0x3] =	wrdreg s5  }
0x22: {  	[dreg:$0x4] =	wrdreg $0xC0  }
0x23: {  	_ =	task [dreg:s7], $0x5FFFF  }
0x24: {  	[dreg:$0x1] =	wrdreg $0xFFFFFFFF  }
0x25: {  	[dreg:$0x0] =	wrdreg $0x60  }
0x26: {  	[dreg:$0x2] =	wrdreg s25  }
0x27: {  	[dreg:$0x3] =	wrdreg s2  }
0x28: {  	[dreg:$0x4] =	wrdreg $0x9  }
0x29: {  	_ =	task.clear_ibuf [dreg:s7], $0x5FFFF;
	_ =	strace $0x90000049  }
0x2a: {  	s29 =	simm.s32 $0x9;
	_ =	strace $0x8000004B  }
0x2b: {  	_ =	swait.ge [sflag:s29], $0x1  }
0x2c: {  	[sflag:s29] =	ssyncadd.s32 $0xFFFFFFFF  }
0x2d: {  	_ =	strace $0x9000004B  }
0x2e: {  	_ =	sfence  }
0x2f: {  	s30 =	sld [smem:$0x0];
	_ =	sdelay $0x2  }
0x30: {  	s31 =	sshll.u32 s1, $0xD;
	s1 =	sshrl.u32 s1, $0x2  }
0x31: {  	s3 =	sand.u32 $0x4000, s31;
	s1 =	sadd.s32 s1, s30  }
0x32: {  	s0 =	sor.u32 s3, s0;
	s1 =	sshll.u32 s1, $0x11  }
0x33: {  	s0 =	sor.u32 s1, s0  }
0x34: {  	s0 =	sadd.s32 $0x8F2B, s0  }
0x35: {  	[sflag:s0] =	ssyncadd.remote.s32 $0x1  }
0x36: {  	_ =	sfence.sel $0xFFFF  }
0x37: {  	[dreg:$0x0] =	wrdreg $0xFFFFFFFF;
	(pc) =	sbr.abs _section_cstart, $3  }
0x38: {  	[dreg:$0x1] =	wrdreg $0xFFFFFFFF  }
0x39: {  	_ =	task.clear_ibuf [dreg:s7], $0x2FFFF;
	_ =	strace $0x9FFFFFFF  }
0x3a: {  	(tm) =	ssettm $0x7FFFFFFF  }
0x3b: {  	_ =	shalt  }
tec
execute0_lowered:
.L_overlay_start_1:
0x0: {  	(tag) =	ssettag $0x1  }
0x1: {  	s0 =	srdreg.scid  }
0x2: {  	s1 =	sshll.u32 s0, $0x4  }
0x3: {  	s0 =	stileid.u32;
	s1 =	sand.u32 $0x10, s1  }
0x4: {  	s1 =	sor.u32 s0, s1  }
0x5: {  	s6 =	rddreg [dreg:$0x0];
	s4 =	simm.s32 $0x1;
	s2 =	sshll.u32 s1, $0x7  }
0x6: {  	s7 =	simm.s32 $0x2;
	s12 =	simm.s32 $0x0;
	s1 =	ssub.s32 $0x4000, s2  }
0x7: {  	s8 =	simm.s32 $0x20000;
	s13 =	simm.s32 $0x0;
	s3 =	sand.u32 $0xF80, s1  }
0x8: {  	s9 =	simm.s32 $0x0;
	s5 =	sshrl.u32 s1, $0xC;
	p0 =	sne.s32 s3, $0x0  }
.Ltmp0:
0x9: {  	s1 =	rddreg [dreg:$0x2];
	s4 =	simm.s32 @!p0 $0x0;
	(pc) =	sbr.rel .LBB1_1-.Ltmp0, $4  }
0xa: {  	s11 =	simm.s32 $0x0;
	s3 =	rddreg [dreg:$0x1];
	s5 =	sadd.s32 s4, s5  }
0xb: {  	_ =	strace $0x8000004A;
	s4 =	simm.s32 $0x1;
	s5 =	smul.u32 $0x1A, s5  }
0xc: {  	s6 =	sadd.s32 $0xC00, s6;
	s10 =	smov.u32 s2;
	[sflag:s4] =	ssyncpa.u1 $0x0  }
0xd: {  	p0 =	por $0x0, $0x0;
	[sflag:s7] =	ssyncpa.u1 $0x0;
	s7 =	sor.u32 $0x1, s5  }
.LBB1_4:
0xe: {  	s16 =	sshll.u32 s13, $0x3;
	s17 =	sand.u32 $0x78, s13  }
0xf: {  	s30 =	sand.u32 $0xF800, s13;
	s12 =	sshll.u32 s12, $0x10;
	s16 =	sand.u32 $0x3C00, s16  }
0x10: {  	s31 =	sand.u32 $0x7, s13;
	s16 =	sor.u32 s17, s16;
	s17 =	sadd.s32 s3, s30  }
0x11: {  	s13 =	sshll.u32 s31, $0x12;
	s16 =	sshrl.u32 s16, $0x3;
	s12 =	sadd.s32 s12, s17  }
0x12: {  	[tilespmem:s15+$0x0 ss:$0x81] =	vst.msk $0xffff, v0;
	s13 =	sor.u32 $0x400, s13;
	s12 =	sadd.s32 s16, s12  }
0x13: {  	[hbm4b:s12+s13] =	stream.strided.scatter [tilespmem:s14], [sflag:$0x2], $0x1000, s8, s13, $0x20;
	[tilespmem:$0x4040] =	vst v63  }
.LBB1_5:
0x14: {  	s14 =	sadd.s32 $0x1, s9  }
0x15: {  	s12 =	sadd.s32 $0x1000, s10;
	s16 =	smov.u32 s10;
	p2 =	sgt.s32 s14, $0x19  }
0x16: {  	s16 =	smov.u32 @p2 s12  }
0x17: {  	s14 =	simm.s32 @p2 $0x0;
	p2 =	sgt.s32 s16, $0x3FFF  }
0x18: {  	s16 =	smov.u32 @p2 s2;
	p2 =	sne.s32 s11, s7  }
.Ltmp1:
0x19: {  	p1 =	slt.u32 s11, $0x2;
	(pc) =	sbr.rel @!p2 .LBB1_6-.Ltmp1, $4  }
0x1a: {  	s15 =	simm.s32 @!p1 $0x2  }
0x1b: {  	s13 =	smov.u32 s10;
	p0 =	por !p0, !p0;
	_ =	swait.ge @!p1 [sflag:s15], $0x1000  }
0x1c: {  	s12 =	smov.u32 s9;
	[sflag:s15] =	ssyncset.done @!p1 $0x0;
	s9 =	smov.u32 s14  }
0x1d: {  	s11 =	sadd.s32 $0x1, s11;
	[sflag:s15] =	ssyncadd.s32 @!p1 $0xFFFFF000;
	s10 =	smov.u32 s16  }
.LBB1_1:
0x1e: {  	p1 =	sge.u32 s11, s5  }
0x1f: {  	s31 =	sadd.s32 $0xFFFFFFFF, s11;
	s14 =	sxor.u32 @!p1 $0xFFFFFFFF, s11  }
0x20: {  	s15 =	sshll.u32 @!p1 s10, $0x9;
	s16 =	sshll.u32 @!p1 s9, $0x4;
	s17 =	simm.s32 @!p1 $0x1000  }
0x21: {  	s14 =	sshll.u32 @!p1 s14, $0xC;
	s16 =	sand.u32 @!p1 $0x1F0, s16;
	s15 =	sadd.s32 @!p1 s6, s15  }
0x22: {  	s14 =	sand.u32 @!p1 $0x1000, s14;
	s15 =	sadd.s32 @!p1 s16, s15;
	s16 =	simm.s32 @!p1 $0x20  }
0x23: {  	[tilespmem:s14], [sflag:$0x1] =	stream.strided.gather @!p1 [hbm4b:s15+s16], $0x1000, s17, s16, $0x38;
	[tilespmem:$0x4040] =	vst v63  }
0x24: {  	p1 =	sge.u32 s31, s5  }
.Ltmp2:
0x25: {  	_ = 	snop;
	(pc) =	sbr.rel @p1 .LBB1_5-.Ltmp2, $1  }
0x26: {  	_ =	sdelay $0x3  }
0x27: {  	s14 =	simm.s32 $0x1  }
0x28: {  	_ =	swait.ge [sflag:s4], $0x1000;
	s14 =	simm.s32 @!p0 $0x0  }
0x29: {  	[sflag:s4] =	ssyncset.done $0x0;
	s15 =	sshll.u32 s14, $0xC  }
0x2a: {  	[sflag:s4] =	ssyncadd.s32 $0xFFFFF000;
	s18 =	sor.u32 $0x10, s15  }
0x2b: {  	s14 =	smul.u32 $0x4080, s14;
	v1 =	vld [tilespmem:s18+$0x0]  }
0x2c: {  	s30 =	sand.u32 $0x1, s11;
	v0 =	vld [tilespmem:s18+$0xFFFFFFF0]  }
0x2d: {  	s15 =	smul.u32 $0x4080, s30;
	s14 =	sshrl.u32 s14, $0x2  }
0x2e: {  	s16 =	sor.u32 $0x2000, s14  }
0x2f: {  	s31 =	sshrl.u32 s15, $0x2;
	s15 =	sadd.s32 $0x0, s16  }
0x30: {  	s17 =	simm.s32 $0x4;
	s18 =	sadd.s32 $0x20, s18;
	s14 =	sor.u32 $0x2000, s31;
	[tilespmem:s15+$0x810 ss:$0x81] =	vst.msk $0xffff, v1  }
.LBB1_3:
0x31: {  	v1 =	vld [tilespmem:s18+$0x0];
	p1 =	sne.s32 s17, $0x1FC;
	[tilespmem:s15+$0x0 ss:$0x81] =	vst.msk $0xffff, v0;
	s15 =	smov.u32 s17;
	s17 =	sadd.s32 $0x4, s17  }
.Ltmp3:
0x32: {  	v0 =	vld [tilespmem:s18+$0xFFFFFFF0];
	(pc) =	sbr.rel @p1 .LBB1_3-.Ltmp3, $4  }
0x33: {  	_ = 	snop  }
0x34: {  	s15 =	sshra.s32 s15, $0x2  }
0x35: {  	s15 =	sadd.s32 s15, s16  }
0x36: {  	s18 =	sadd.s32 $0x20, s18;
	[tilespmem:s15+$0x810 ss:$0x81] =	vst.msk $0xffff, v1  }
.Ltmp4:
0x37: {  	_ = 	snop;
	(pc) =	sbr.rel .LBB1_4-.Ltmp4, $1  }
0x38: {  	_ =	sdelay $0x3  }
.LBB1_6:
0x39: {  	_ =	sfence.sel $0x180000  }
0x3a: {  	s2 =	simm.s32 $0x1;
	[bflag:$0x0] =	sbarrier.arrive $0xFFFF  }
0x3b: {  	s31 =	simm.s32 $0x2;
	[sflag:s2] =	ssyncpa.u1 $0x1  }
0x3c: {  	[sflag:s31] =	ssyncpa.u1 $0x1  }
0x3d: {  	p0 =	sne.s32 s0, $0x0;
	_ =	strace $0x9000004A  }
0x3e: {  	s0 =	sadd.s32 @!p0 $0x100000, s1;
	[bflag:$0x2] =	sbarrier.arrive $0xFFFF  }
0x3f: {  	[sflag:s0] =	ssyncadd.tile.s32 @!p0 $0x1;
	_ =	shalt  }
.Lfunc_end1:
_tile_overlayer_lowered:
.L_overlay_start_2:
0x40: {  	(tag) =	ssettag $0x2  }
0x41: {  	s0 =	rddreg [dreg:$0x0];
	s2 =	stileid.u32  }
0x42: {  	s1 =	rddreg [dreg:$0x1];
	p0 =	sne.s32 s2, $0x0  }
0x43: {  	s3 =	rddreg [dreg:$0x2];
	[bflag:$0x3] =	sbarrier.arrive $0xFFFF;
	s2 =	simm.s32 @!p0 $0x1C01  }
0x44: {  	[timem:s3], [sflag:s2] =	dma.local @!p0 [hbm:s0], s1  }
0x45: {  	s0 =	simm.s32 @!p0 $0x1  }
0x46: {  	_ =	swait.ge @!p0 [sflag:s0], s1  }
0x47: {  	s1 =	ssub.s32 @!p0 $0x0, s1;
	[sflag:s0] =	ssyncset.done @!p0 $0x0  }
0x48: {  	[sflag:s0] =	ssyncadd.s32 @!p0 s1  }
0x49: {  	[bflag:$0x3] =	sbarrier.arrive $0xFFFF  }
0x4a: {  	_ =	shalt  }

</sc_bundles>
